<compile_context>
chip_gen: v7x
topology: tpu7x:2x2x1
jax: 0.10.2.dev20260603
libtpu: 0.0.44.dev20260713+nightly
codegen_flags: <defaults>
</compile_context>

<pallas_src>
import jax
import jax.numpy as jnp
from jax import lax
from jax.experimental import pallas as pl
from jax.experimental.pallas import tpu as pltpu
from jax.experimental.pallas import tpu_sc as plsc

MAX_POS = 8192
D_MODEL = 1024
BATCH = 4
SEQ = 8192

NC = 2
NS = 16
NW = NC * NS

B_TOTAL = BATCH * SEQ
ROWS_PER_W = B_TOTAL // NW
CHUNK = 8
N_CHUNKS = ROWS_PER_W // CHUNK
DG = 6
DP = 2
NBUF = DG + DP


def _gather_body(table_hbm, ids_hbm, out_hbm, idx_v, bufs, sgs, sos):
    wid = lax.axis_index("s") * NC + lax.axis_index("c")
    pltpu.sync_copy(ids_hbm.at[wid], idx_v)
    row_base = wid * ROWS_PER_W

    def gather(c, p):
        return pltpu.make_async_copy(table_hbm.at[idx_v.at[c]], bufs[p], sgs[p])

    def put(c, p):
        return pltpu.make_async_copy(
            bufs[p], out_hbm.at[pl.ds(row_base + c * CHUNK, CHUNK)], sos[p]
        )

    def step(c, p, head, tail):
        gather(c, p).wait()
        put(c, p).start()
        if not head:
            put(c - DP, (p + DG) % NBUF).wait()
        if not tail:
            gather(c + DG, (p + DG) % NBUF).start()

    for p in range(DG):
        gather(p, p).start()
    for c in range(DP):
        step(c, c, head=True, tail=False)

    def group(m, carry):
        c = NBUF * m + DP
        for j in range(NBUF):
            step(c + j, (DP + j) % NBUF, head=False, tail=False)
        return carry

    lax.fori_loop(0, (N_CHUNKS - NBUF) // NBUF, group, 0)
    for j in range(DG):
        c = N_CHUNKS - DG + j
        step(c, c % NBUF, head=False, tail=True)
    for j in range(DP):
        c = N_CHUNKS - DP + j
        put(c, c % NBUF).wait()


@jax.jit
def _sc_gather(table, ids):
    mesh = plsc.VectorSubcoreMesh(
        core_axis_name="c", subcore_axis_name="s", num_cores=NC, num_subcores=NS
    )
    f = pl.kernel(
        _gather_body,
        out_type=jax.ShapeDtypeStruct((B_TOTAL, D_MODEL), jnp.float32),
        mesh=mesh,
        scratch_types=[
            pltpu.VMEM((N_CHUNKS, CHUNK), jnp.int32),
            [pltpu.VMEM((CHUNK, D_MODEL), jnp.float32) for _ in range(NBUF)],
            [pltpu.SemaphoreType.DMA for _ in range(NBUF)],
            [pltpu.SemaphoreType.DMA for _ in range(NBUF)],
        ],
    )
    return f(table, ids)


def kernel(position_ids, table):
    ids = position_ids.astype(jnp.int32).reshape(NW, N_CHUNKS, CHUNK)
    out = _sc_gather(table, ids)
    return out.reshape(BATCH, SEQ, D_MODEL)

# --- scband reference (transcript-rebuilt; emitter-appended) ---
"""Pipeline reference for scband-position-embeddings-66365834658171 (READ-ONLY COPY).

The authoritative reference and input builder live on the scoring server;
editing this copy changes nothing except your own understanding.
"""

import jax, jax.numpy as jnp
import numpy as np

MAX_POS = 8192
D_MODEL = 1024
BATCH = 4
SEQ = 8192

def setup_inputs(seed: int = 0) -> dict:
    key = jax.random.key(seed)
    k1, k2 = jax.random.split(key)
    position_ids = jax.random.randint(k1, (BATCH, SEQ), 0, MAX_POS, dtype=jnp.int64 if jax.config.jax_enable_x64 else jnp.int32)
    table = jax.random.normal(k2, (MAX_POS, D_MODEL), dtype=jnp.float32) * 0.02
    return {"position_ids": position_ids, "table": table}

def reference(position_ids, table):
    # Embedding lookup: gather rows of the position-embedding table.
    # Dropout is identity at inference time.
    position_embeddings = jnp.take(table, position_ids, axis=0)
    return position_embeddings

if __name__ == "__main__":
    import jax
    _d = setup_inputs()
    print(jax.jit(kernel)(*tuple(_d.values())))

</pallas_src>

<mosaic_0001>
#map = affine_map<(d0, d1) -> (0, 0)>
#map1 = affine_map<(d0, d1) -> (0, 0, 0)>
module attributes {stable_mosaic.version = 14 : i64} {
  func.func @_gather_body(%arg0: i32, %arg1: i32, %arg2: memref<8192x1024xf32, #tpu.memory_space<hbm>>, %arg3: memref<32x128x8xi32, #tpu.memory_space<hbm>>, %arg4: memref<32768x1024xf32, #tpu.memory_space<hbm>>, %arg5: memref<128x8xi32, #tpu.memory_space<vmem>>, %arg6: memref<8x1024xf32, #tpu.memory_space<vmem>>, %arg7: memref<8x1024xf32, #tpu.memory_space<vmem>>, %arg8: memref<8x1024xf32, #tpu.memory_space<vmem>>, %arg9: memref<8x1024xf32, #tpu.memory_space<vmem>>, %arg10: memref<8x1024xf32, #tpu.memory_space<vmem>>, %arg11: memref<8x1024xf32, #tpu.memory_space<vmem>>, %arg12: memref<8x1024xf32, #tpu.memory_space<vmem>>, %arg13: memref<8x1024xf32, #tpu.memory_space<vmem>>, %arg14: memref<!tpu.dma_semaphore, #tpu.memory_space<semaphore_mem>>, %arg15: memref<!tpu.dma_semaphore, #tpu.memory_space<semaphore_mem>>, %arg16: memref<!tpu.dma_semaphore, #tpu.memory_space<semaphore_mem>>, %arg17: memref<!tpu.dma_semaphore, #tpu.memory_space<semaphore_mem>>, %arg18: memref<!tpu.dma_semaphore, #tpu.memory_space<semaphore_mem>>, %arg19: memref<!tpu.dma_semaphore, #tpu.memory_space<semaphore_mem>>, %arg20: memref<!tpu.dma_semaphore, #tpu.memory_space<semaphore_mem>>, %arg21: memref<!tpu.dma_semaphore, #tpu.memory_space<semaphore_mem>>, %arg22: memref<!tpu.dma_semaphore, #tpu.memory_space<semaphore_mem>>, %arg23: memref<!tpu.dma_semaphore, #tpu.memory_space<semaphore_mem>>, %arg24: memref<!tpu.dma_semaphore, #tpu.memory_space<semaphore_mem>>, %arg25: memref<!tpu.dma_semaphore, #tpu.memory_space<semaphore_mem>>, %arg26: memref<!tpu.dma_semaphore, #tpu.memory_space<semaphore_mem>>, %arg27: memref<!tpu.dma_semaphore, #tpu.memory_space<semaphore_mem>>, %arg28: memref<!tpu.dma_semaphore, #tpu.memory_space<semaphore_mem>>, %arg29: memref<!tpu.dma_semaphore, #tpu.memory_space<semaphore_mem>>) attributes {dimension_semantics = [#tpu.dimension_semantics<core_parallel>, #tpu.dimension_semantics<subcore_parallel>], iteration_bounds = array<i64: 2, 16>, scalar_prefetch = 0 : i64, scratch_operands = 25 : i64, tpu.core_type = #tpu.core_type<sc_vector_subcore>, window_params = [{transform_indices = #map}, {transform_indices = #map1}, {transform_indices = #map}]} {
    %mul3A = arith.constant 2 : i32
    %mul3A_0 = arith.muli %arg1, %mul3A : i32
    %add3A = arith.addi %mul3A_0, %arg0 : i32
    "tpu.region"() ({
      %run_scoped3A = tpu.sem_alloc : memref<!tpu.dma_semaphore, #tpu.memory_space<semaphore_mem>>
      %dma_start3A_214 = arith.constant 0 : i32
      %dma_start3A_215 = arith.constant 0 : i32
      %dma_start3A_216 = tpu.memref_slice %arg3[%add3A, %dma_start3A_214, %dma_start3A_215] : memref<32x128x8xi32, #tpu.memory_space<hbm>> -> memref<1x128x8xi32, #tpu.memory_space<hbm>>
      %dma_start3A_217 = tpu.memref_squeeze %dma_start3A_216 : memref<1x128x8xi32, #tpu.memory_space<hbm>> -> memref<128x8xi32, #tpu.memory_space<hbm>>
      %dma_start3A_218 = arith.constant 0 : i32
      %dma_start3A_219 = arith.constant 0 : i32
      %dma_start3A_220 = tpu.memref_slice %arg3[%add3A, %dma_start3A_218, %dma_start3A_219] : memref<32x128x8xi32, #tpu.memory_space<hbm>> -> memref<1x128x8xi32, #tpu.memory_space<hbm>>
      %dma_start3A_221 = tpu.memref_squeeze %dma_start3A_220 : memref<1x128x8xi32, #tpu.memory_space<hbm>> -> memref<128x8xi32, #tpu.memory_space<hbm>>
      tpu.enqueue_dma source(%dma_start3A_221 : memref<128x8xi32, #tpu.memory_space<hbm>>) target(%arg5 : memref<128x8xi32, #tpu.memory_space<vmem>>) target_semaphore(%run_scoped3A : memref<!tpu.dma_semaphore, #tpu.memory_space<semaphore_mem>>)
      %dma_wait3A_222 = arith.constant 0 : i32
      %dma_wait3A_223 = arith.constant 0 : i32
      %dma_wait3A_224 = tpu.memref_slice %arg3[%add3A, %dma_wait3A_222, %dma_wait3A_223] : memref<32x128x8xi32, #tpu.memory_space<hbm>> -> memref<1x128x8xi32, #tpu.memory_space<hbm>>
      %dma_wait3A_225 = tpu.memref_squeeze %dma_wait3A_224 : memref<1x128x8xi32, #tpu.memory_space<hbm>> -> memref<128x8xi32, #tpu.memory_space<hbm>>
      %dma_wait3A_226 = arith.constant 0 : i32
      %dma_wait3A_227 = arith.constant 0 : i32
      %dma_wait3A_228 = tpu.memref_slice %arg3[%add3A, %dma_wait3A_226, %dma_wait3A_227] : memref<32x128x8xi32, #tpu.memory_space<hbm>> -> memref<1x128x8xi32, #tpu.memory_space<hbm>>
      %dma_wait3A_229 = tpu.memref_squeeze %dma_wait3A_228 : memref<1x128x8xi32, #tpu.memory_space<hbm>> -> memref<128x8xi32, #tpu.memory_space<hbm>>
      tpu.wait_dma2 semaphore(%run_scoped3A : memref<!tpu.dma_semaphore, #tpu.memory_space<semaphore_mem>>) src(%dma_wait3A_229 : memref<128x8xi32, #tpu.memory_space<hbm>>) dst(%arg5 : memref<128x8xi32, #tpu.memory_space<vmem>>)
      tpu.yield
    }) : () -> ()
    %mul3A_1 = arith.constant 1024 : i32
    %mul3A_2 = arith.muli %add3A, %mul3A_1 : i32
    %dma_start3A = arith.constant 0 : i32
    %dma_start3A_3 = arith.constant 0 : i32
    %dma_start3A_4 = tpu.memref_slice %arg5[%dma_start3A, %dma_start3A_3] : memref<128x8xi32, #tpu.memory_space<vmem>> -> memref<1x8xi32, #tpu.memory_space<vmem>>
    %dma_start3A_5 = tpu.memref_squeeze %dma_start3A_4 : memref<1x8xi32, #tpu.memory_space<vmem>> -> memref<8xi32, #tpu.memory_space<vmem>>
    %dma_start3A_6 = arith.constant 0 : i32
    %dma_start3A_7 = arith.constant 0 : i32
    %dma_start3A_8 = tpu.memref_slice %arg2[%dma_start3A_6, %dma_start3A_7] : memref<8192x1024xf32, #tpu.memory_space<hbm>> -> memref<8192x1024xf32, #tpu.memory_space<hbm>>
    tpu.enqueue_indirect_dma source(%dma_start3A_8 : memref<8192x1024xf32, #tpu.memory_space<hbm>>) target(%arg6 : memref<8x1024xf32, #tpu.memory_space<vmem>>) offsets(%dma_start3A_5 : memref<8xi32, #tpu.memory_space<vmem>>) semaphore(%arg14 : memref<!tpu.dma_semaphore, #tpu.memory_space<semaphore_mem>>)
    %dma_start3A_9 = arith.constant 1 : i32
    %dma_start3A_10 = arith.constant 0 : i32
    %dma_start3A_11 = tpu.memref_slice %arg5[%dma_start3A_9, %dma_start3A_10] : memref<128x8xi32, #tpu.memory_space<vmem>> -> memref<1x8xi32, #tpu.memory_space<vmem>>
    %dma_start3A_12 = tpu.memref_squeeze %dma_start3A_11 : memref<1x8xi32, #tpu.memory_space<vmem>> -> memref<8xi32, #tpu.memory_space<vmem>>
    %dma_start3A_13 = arith.constant 0 : i32
    %dma_start3A_14 = arith.constant 0 : i32
    %dma_start3A_15 = tpu.memref_slice %arg2[%dma_start3A_13, %dma_start3A_14] : memref<8192x1024xf32, #tpu.memory_space<hbm>> -> memref<8192x1024xf32, #tpu.memory_space<hbm>>
    tpu.enqueue_indirect_dma source(%dma_start3A_15 : memref<8192x1024xf32, #tpu.memory_space<hbm>>) target(%arg7 : memref<8x1024xf32, #tpu.memory_space<vmem>>) offsets(%dma_start3A_12 : memref<8xi32, #tpu.memory_space<vmem>>) semaphore(%arg15 : memref<!tpu.dma_semaphore, #tpu.memory_space<semaphore_mem>>)
    %dma_start3A_16 = arith.constant 2 : i32
    %dma_start3A_17 = arith.constant 0 : i32
    %dma_start3A_18 = tpu.memref_slice %arg5[%dma_start3A_16, %dma_start3A_17] : memref<128x8xi32, #tpu.memory_space<vmem>> -> memref<1x8xi32, #tpu.memory_space<vmem>>
    %dma_start3A_19 = tpu.memref_squeeze %dma_start3A_18 : memref<1x8xi32, #tpu.memory_space<vmem>> -> memref<8xi32, #tpu.memory_space<vmem>>
    %dma_start3A_20 = arith.constant 0 : i32
    %dma_start3A_21 = arith.constant 0 : i32
    %dma_start3A_22 = tpu.memref_slice %arg2[%dma_start3A_20, %dma_start3A_21] : memref<8192x1024xf32, #tpu.memory_space<hbm>> -> memref<8192x1024xf32, #tpu.memory_space<hbm>>
    tpu.enqueue_indirect_dma source(%dma_start3A_22 : memref<8192x1024xf32, #tpu.memory_space<hbm>>) target(%arg8 : memref<8x1024xf32, #tpu.memory_space<vmem>>) offsets(%dma_start3A_19 : memref<8xi32, #tpu.memory_space<vmem>>) semaphore(%arg16 : memref<!tpu.dma_semaphore, #tpu.memory_space<semaphore_mem>>)
    %dma_start3A_23 = arith.constant 3 : i32
    %dma_start3A_24 = arith.constant 0 : i32
    %dma_start3A_25 = tpu.memref_slice %arg5[%dma_start3A_23, %dma_start3A_24] : memref<128x8xi32, #tpu.memory_space<vmem>> -> memref<1x8xi32, #tpu.memory_space<vmem>>
    %dma_start3A_26 = tpu.memref_squeeze %dma_start3A_25 : memref<1x8xi32, #tpu.memory_space<vmem>> -> memref<8xi32, #tpu.memory_space<vmem>>
    %dma_start3A_27 = arith.constant 0 : i32
    %dma_start3A_28 = arith.constant 0 : i32
    %dma_start3A_29 = tpu.memref_slice %arg2[%dma_start3A_27, %dma_start3A_28] : memref<8192x1024xf32, #tpu.memory_space<hbm>> -> memref<8192x1024xf32, #tpu.memory_space<hbm>>
    tpu.enqueue_indirect_dma source(%dma_start3A_29 : memref<8192x1024xf32, #tpu.memory_space<hbm>>) target(%arg9 : memref<8x1024xf32, #tpu.memory_space<vmem>>) offsets(%dma_start3A_26 : memref<8xi32, #tpu.memory_space<vmem>>) semaphore(%arg17 : memref<!tpu.dma_semaphore, #tpu.memory_space<semaphore_mem>>)
    %dma_start3A_30 = arith.constant 4 : i32
    %dma_start3A_31 = arith.constant 0 : i32
    %dma_start3A_32 = tpu.memref_slice %arg5[%dma_start3A_30, %dma_start3A_31] : memref<128x8xi32, #tpu.memory_space<vmem>> -> memref<1x8xi32, #tpu.memory_space<vmem>>
    %dma_start3A_33 = tpu.memref_squeeze %dma_start3A_32 : memref<1x8xi32, #tpu.memory_space<vmem>> -> memref<8xi32, #tpu.memory_space<vmem>>
    %dma_start3A_34 = arith.constant 0 : i32
    %dma_start3A_35 = arith.constant 0 : i32
    %dma_start3A_36 = tpu.memref_slice %arg2[%dma_start3A_34, %dma_start3A_35] : memref<8192x1024xf32, #tpu.memory_space<hbm>> -> memref<8192x1024xf32, #tpu.memory_space<hbm>>
    tpu.enqueue_indirect_dma source(%dma_start3A_36 : memref<8192x1024xf32, #tpu.memory_space<hbm>>) target(%arg10 : memref<8x1024xf32, #tpu.memory_space<vmem>>) offsets(%dma_start3A_33 : memref<8xi32, #tpu.memory_space<vmem>>) semaphore(%arg18 : memref<!tpu.dma_semaphore, #tpu.memory_space<semaphore_mem>>)
    %dma_start3A_37 = arith.constant 5 : i32
    %dma_start3A_38 = arith.constant 0 : i32
    %dma_start3A_39 = tpu.memref_slice %arg5[%dma_start3A_37, %dma_start3A_38] : memref<128x8xi32, #tpu.memory_space<vmem>> -> memref<1x8xi32, #tpu.memory_space<vmem>>
    %dma_start3A_40 = tpu.memref_squeeze %dma_start3A_39 : memref<1x8xi32, #tpu.memory_space<vmem>> -> memref<8xi32, #tpu.memory_space<vmem>>
    %dma_start3A_41 = arith.constant 0 : i32
    %dma_start3A_42 = arith.constant 0 : i32
    %dma_start3A_43 = tpu.memref_slice %arg2[%dma_start3A_41, %dma_start3A_42] : memref<8192x1024xf32, #tpu.memory_space<hbm>> -> memref<8192x1024xf32, #tpu.memory_space<hbm>>
    tpu.enqueue_indirect_dma source(%dma_start3A_43 : memref<8192x1024xf32, #tpu.memory_space<hbm>>) target(%arg11 : memref<8x1024xf32, #tpu.memory_space<vmem>>) offsets(%dma_start3A_40 : memref<8xi32, #tpu.memory_space<vmem>>) semaphore(%arg19 : memref<!tpu.dma_semaphore, #tpu.memory_space<semaphore_mem>>)
    %dma_wait3A = arith.constant 0 : i32
    %dma_wait3A_44 = arith.constant 0 : i32
    %dma_wait3A_45 = tpu.memref_slice %arg5[%dma_wait3A, %dma_wait3A_44] : memref<128x8xi32, #tpu.memory_space<vmem>> -> memref<1x8xi32, #tpu.memory_space<vmem>>
    %dma_wait3A_46 = tpu.memref_squeeze %dma_wait3A_45 : memref<1x8xi32, #tpu.memory_space<vmem>> -> memref<8xi32, #tpu.memory_space<vmem>>
    %dma_wait3A_47 = arith.constant 0 : i32
    %dma_wait3A_48 = arith.constant 0 : i32
    %dma_wait3A_49 = tpu.memref_slice %arg2[%dma_wait3A_47, %dma_wait3A_48] : memref<8192x1024xf32, #tpu.memory_space<hbm>> -> memref<8192x1024xf32, #tpu.memory_space<hbm>>
    tpu.wait_indirect_dma semaphore(%arg14 : memref<!tpu.dma_semaphore, #tpu.memory_space<semaphore_mem>>) src(%dma_wait3A_49 : memref<8192x1024xf32, #tpu.memory_space<hbm>>) dst(%arg6 : memref<8x1024xf32, #tpu.memory_space<vmem>>)
    %add3A_50 = arith.constant 0 : i32
    %add3A_51 = arith.addi %mul3A_2, %add3A_50 : i32
    %dma_start3A_52 = arith.constant 0 : i32
    %dma_start3A_53 = tpu.memref_slice %arg4[%add3A_51, %dma_start3A_52] : memref<32768x1024xf32, #tpu.memory_space<hbm>> -> memref<8x1024xf32, #tpu.memory_space<hbm>>
    %dma_start3A_54 = arith.constant 0 : i32
    %dma_start3A_55 = tpu.memref_slice %arg4[%add3A_51, %dma_start3A_54] : memref<32768x1024xf32, #tpu.memory_space<hbm>> -> memref<8x1024xf32, #tpu.memory_space<hbm>>
    tpu.enqueue_dma source(%arg6 : memref<8x1024xf32, #tpu.memory_space<vmem>>) target(%dma_start3A_55 : memref<8x1024xf32, #tpu.memory_space<hbm>>) target_semaphore(%arg22 : memref<!tpu.dma_semaphore, #tpu.memory_space<semaphore_mem>>)
    %dma_start3A_56 = arith.constant 6 : i32
    %dma_start3A_57 = arith.constant 0 : i32
    %dma_start3A_58 = tpu.memref_slice %arg5[%dma_start3A_56, %dma_start3A_57] : memref<128x8xi32, #tpu.memory_space<vmem>> -> memref<1x8xi32, #tpu.memory_space<vmem>>
    %dma_start3A_59 = tpu.memref_squeeze %dma_start3A_58 : memref<1x8xi32, #tpu.memory_space<vmem>> -> memref<8xi32, #tpu.memory_space<vmem>>
    %dma_start3A_60 = arith.constant 0 : i32
    %dma_start3A_61 = arith.constant 0 : i32
    %dma_start3A_62 = tpu.memref_slice %arg2[%dma_start3A_60, %dma_start3A_61] : memref<8192x1024xf32, #tpu.memory_space<hbm>> -> memref<8192x1024xf32, #tpu.memory_space<hbm>>
    tpu.enqueue_indirect_dma source(%dma_start3A_62 : memref<8192x1024xf32, #tpu.memory_space<hbm>>) target(%arg12 : memref<8x1024xf32, #tpu.memory_space<vmem>>) offsets(%dma_start3A_59 : memref<8xi32, #tpu.memory_space<vmem>>) semaphore(%arg20 : memref<!tpu.dma_semaphore, #tpu.memory_space<semaphore_mem>>)
    %dma_wait3A_63 = arith.constant 1 : i32
    %dma_wait3A_64 = arith.constant 0 : i32
    %dma_wait3A_65 = tpu.memref_slice %arg5[%dma_wait3A_63, %dma_wait3A_64] : memref<128x8xi32, #tpu.memory_space<vmem>> -> memref<1x8xi32, #tpu.memory_space<vmem>>
    %dma_wait3A_66 = tpu.memref_squeeze %dma_wait3A_65 : memref<1x8xi32, #tpu.memory_space<vmem>> -> memref<8xi32, #tpu.memory_space<vmem>>
    %dma_wait3A_67 = arith.constant 0 : i32
    %dma_wait3A_68 = arith.constant 0 : i32
    %dma_wait3A_69 = tpu.memref_slice %arg2[%dma_wait3A_67, %dma_wait3A_68] : memref<8192x1024xf32, #tpu.memory_space<hbm>> -> memref<8192x1024xf32, #tpu.memory_space<hbm>>
    tpu.wait_indirect_dma semaphore(%arg15 : memref<!tpu.dma_semaphore, #tpu.memory_space<semaphore_mem>>) src(%dma_wait3A_69 : memref<8192x1024xf32, #tpu.memory_space<hbm>>) dst(%arg7 : memref<8x1024xf32, #tpu.memory_space<vmem>>)
    %add3A_70 = arith.constant 8 : i32
    %add3A_71 = arith.addi %mul3A_2, %add3A_70 : i32
    %dma_start3A_72 = arith.constant 0 : i32
    %dma_start3A_73 = tpu.memref_slice %arg4[%add3A_71, %dma_start3A_72] : memref<32768x1024xf32, #tpu.memory_space<hbm>> -> memref<8x1024xf32, #tpu.memory_space<hbm>>
    %dma_start3A_74 = arith.constant 0 : i32
    %dma_start3A_75 = tpu.memref_slice %arg4[%add3A_71, %dma_start3A_74] : memref<32768x1024xf32, #tpu.memory_space<hbm>> -> memref<8x1024xf32, #tpu.memory_space<hbm>>
    tpu.enqueue_dma source(%arg7 : memref<8x1024xf32, #tpu.memory_space<vmem>>) target(%dma_start3A_75 : memref<8x1024xf32, #tpu.memory_space<hbm>>) target_semaphore(%arg23 : memref<!tpu.dma_semaphore, #tpu.memory_space<semaphore_mem>>)
    %dma_start3A_76 = arith.constant 7 : i32
    %dma_start3A_77 = arith.constant 0 : i32
    %dma_start3A_78 = tpu.memref_slice %arg5[%dma_start3A_76, %dma_start3A_77] : memref<128x8xi32, #tpu.memory_space<vmem>> -> memref<1x8xi32, #tpu.memory_space<vmem>>
    %dma_start3A_79 = tpu.memref_squeeze %dma_start3A_78 : memref<1x8xi32, #tpu.memory_space<vmem>> -> memref<8xi32, #tpu.memory_space<vmem>>
    %dma_start3A_80 = arith.constant 0 : i32
    %dma_start3A_81 = arith.constant 0 : i32
    %dma_start3A_82 = tpu.memref_slice %arg2[%dma_start3A_80, %dma_start3A_81] : memref<8192x1024xf32, #tpu.memory_space<hbm>> -> memref<8192x1024xf32, #tpu.memory_space<hbm>>
    tpu.enqueue_indirect_dma source(%dma_start3A_82 : memref<8192x1024xf32, #tpu.memory_space<hbm>>) target(%arg13 : memref<8x1024xf32, #tpu.memory_space<vmem>>) offsets(%dma_start3A_79 : memref<8xi32, #tpu.memory_space<vmem>>) semaphore(%arg21 : memref<!tpu.dma_semaphore, #tpu.memory_space<semaphore_mem>>)
    %scan3A = arith.constant 0 : i32
    %scan3A_83 = arith.constant 0 : i32
    %scan3A_84 = arith.constant 15 : i32
    %scan3A_85 = arith.addi %scan3A_83, %scan3A_84 : i32
    %scan3A_86 = arith.constant 1 : i32
    scf.for %scan3A_214 = %scan3A_83 to %scan3A_85 step %scan3A_86  : i32 {
      %mul3A_215 = arith.constant 8 : i32
      %mul3A_216 = arith.muli %mul3A_215, %scan3A_214 : i32
      %add3A_217 = arith.constant 2 : i32
      %add3A_218 = arith.addi %mul3A_216, %add3A_217 : i32
      %add3A_219 = arith.constant 0 : i32
      %add3A_220 = arith.addi %add3A_218, %add3A_219 : i32
      %dma_wait3A_221 = arith.constant 0 : i32
      %dma_wait3A_222 = tpu.memref_slice %arg5[%add3A_220, %dma_wait3A_221] : memref<128x8xi32, #tpu.memory_space<vmem>> -> memref<1x8xi32, #tpu.memory_space<vmem>>
      %dma_wait3A_223 = tpu.memref_squeeze %dma_wait3A_222 : memref<1x8xi32, #tpu.memory_space<vmem>> -> memref<8xi32, #tpu.memory_space<vmem>>
      %dma_wait3A_224 = arith.constant 0 : i32
      %dma_wait3A_225 = arith.constant 0 : i32
      %dma_wait3A_226 = tpu.memref_slice %arg2[%dma_wait3A_224, %dma_wait3A_225] : memref<8192x1024xf32, #tpu.memory_space<hbm>> -> memref<8192x1024xf32, #tpu.memory_space<hbm>>
      tpu.wait_indirect_dma semaphore(%arg16 : memref<!tpu.dma_semaphore, #tpu.memory_space<semaphore_mem>>) src(%dma_wait3A_226 : memref<8192x1024xf32, #tpu.memory_space<hbm>>) dst(%arg8 : memref<8x1024xf32, #tpu.memory_space<vmem>>)
      %mul3A_227 = arith.constant 8 : i32
      %mul3A_228 = arith.muli %add3A_220, %mul3A_227 : i32
      %add3A_229 = arith.addi %mul3A_2, %mul3A_228 : i32
      %dma_start3A_230 = arith.constant 0 : i32
      %dma_start3A_231 = tpu.memref_slice %arg4[%add3A_229, %dma_start3A_230] : memref<32768x1024xf32, #tpu.memory_space<hbm>> -> memref<8x1024xf32, #tpu.memory_space<hbm>>
      %dma_start3A_232 = arith.constant 0 : i32
      %dma_start3A_233 = tpu.memref_slice %arg4[%add3A_229, %dma_start3A_232] : memref<32768x1024xf32, #tpu.memory_space<hbm>> -> memref<8x1024xf32, #tpu.memory_space<hbm>>
      tpu.enqueue_dma source(%arg8 : memref<8x1024xf32, #tpu.memory_space<vmem>>) target(%dma_start3A_233 : memref<8x1024xf32, #tpu.memory_space<hbm>>) target_semaphore(%arg24 : memref<!tpu.dma_semaphore, #tpu.memory_space<semaphore_mem>>)
      %sub3A = arith.constant 2 : i32
      %sub3A_234 = arith.subi %add3A_220, %sub3A : i32
      %mul3A_235 = arith.constant 8 : i32
      %mul3A_236 = arith.muli %sub3A_234, %mul3A_235 : i32
      %add3A_237 = arith.addi %mul3A_2, %mul3A_236 : i32
      %dma_wait3A_238 = arith.constant 0 : i32
      %dma_wait3A_239 = tpu.memref_slice %arg4[%add3A_237, %dma_wait3A_238] : memref<32768x1024xf32, #tpu.memory_space<hbm>> -> memref<8x1024xf32, #tpu.memory_space<hbm>>
      %dma_wait3A_240 = arith.constant 0 : i32
      %dma_wait3A_241 = tpu.memref_slice %arg4[%add3A_237, %dma_wait3A_240] : memref<32768x1024xf32, #tpu.memory_space<hbm>> -> memref<8x1024xf32, #tpu.memory_space<hbm>>
      tpu.wait_dma2 semaphore(%arg22 : memref<!tpu.dma_semaphore, #tpu.memory_space<semaphore_mem>>) src(%arg6 : memref<8x1024xf32, #tpu.memory_space<vmem>>) dst(%dma_wait3A_241 : memref<8x1024xf32, #tpu.memory_space<hbm>>)
      %add3A_242 = arith.constant 6 : i32
      %add3A_243 = arith.addi %add3A_220, %add3A_242 : i32
      %dma_start3A_244 = arith.constant 0 : i32
      %dma_start3A_245 = tpu.memref_slice %arg5[%add3A_243, %dma_start3A_244] : memref<128x8xi32, #tpu.memory_space<vmem>> -> memref<1x8xi32, #tpu.memory_space<vmem>>
      %dma_start3A_246 = tpu.memref_squeeze %dma_start3A_245 : memref<1x8xi32, #tpu.memory_space<vmem>> -> memref<8xi32, #tpu.memory_space<vmem>>
      %dma_start3A_247 = arith.constant 0 : i32
      %dma_start3A_248 = arith.constant 0 : i32
      %dma_start3A_249 = tpu.memref_slice %arg2[%dma_start3A_247, %dma_start3A_248] : memref<8192x1024xf32, #tpu.memory_space<hbm>> -> memref<8192x1024xf32, #tpu.memory_space<hbm>>
      tpu.enqueue_indirect_dma source(%dma_start3A_249 : memref<8192x1024xf32, #tpu.memory_space<hbm>>) target(%arg6 : memref<8x1024xf32, #tpu.memory_space<vmem>>) offsets(%dma_start3A_246 : memref<8xi32, #tpu.memory_space<vmem>>) semaphore(%arg14 : memref<!tpu.dma_semaphore, #tpu.memory_space<semaphore_mem>>)
      %add3A_250 = arith.constant 1 : i32
      %add3A_251 = arith.addi %add3A_218, %add3A_250 : i32
      %dma_wait3A_252 = arith.constant 0 : i32
      %dma_wait3A_253 = tpu.memref_slice %arg5[%add3A_251, %dma_wait3A_252] : memref<128x8xi32, #tpu.memory_space<vmem>> -> memref<1x8xi32, #tpu.memory_space<vmem>>
      %dma_wait3A_254 = tpu.memref_squeeze %dma_wait3A_253 : memref<1x8xi32, #tpu.memory_space<vmem>> -> memref<8xi32, #tpu.memory_space<vmem>>
      %dma_wait3A_255 = arith.constant 0 : i32
      %dma_wait3A_256 = arith.constant 0 : i32
      %dma_wait3A_257 = tpu.memref_slice %arg2[%dma_wait3A_255, %dma_wait3A_256] : memref<8192x1024xf32, #tpu.memory_space<hbm>> -> memref<8192x1024xf32, #tpu.memory_space<hbm>>
      tpu.wait_indirect_dma semaphore(%arg17 : memref<!tpu.dma_semaphore, #tpu.memory_space<semaphore_mem>>) src(%dma_wait3A_257 : memref<8192x1024xf32, #tpu.memory_space<hbm>>) dst(%arg9 : memref<8x1024xf32, #tpu.memory_space<vmem>>)
      %mul3A_258 = arith.constant 8 : i32
      %mul3A_259 = arith.muli %add3A_251, %mul3A_258 : i32
      %add3A_260 = arith.addi %mul3A_2, %mul3A_259 : i32
      %dma_start3A_261 = arith.constant 0 : i32
      %dma_start3A_262 = tpu.memref_slice %arg4[%add3A_260, %dma_start3A_261] : memref<32768x1024xf32, #tpu.memory_space<hbm>> -> memref<8x1024xf32, #tpu.memory_space<hbm>>
      %dma_start3A_263 = arith.constant 0 : i32
      %dma_start3A_264 = tpu.memref_slice %arg4[%add3A_260, %dma_start3A_263] : memref<32768x1024xf32, #tpu.memory_space<hbm>> -> memref<8x1024xf32, #tpu.memory_space<hbm>>
      tpu.enqueue_dma source(%arg9 : memref<8x1024xf32, #tpu.memory_space<vmem>>) target(%dma_start3A_264 : memref<8x1024xf32, #tpu.memory_space<hbm>>) target_semaphore(%arg25 : memref<!tpu.dma_semaphore, #tpu.memory_space<semaphore_mem>>)
      %sub3A_265 = arith.constant 2 : i32
      %sub3A_266 = arith.subi %add3A_251, %sub3A_265 : i32
      %mul3A_267 = arith.constant 8 : i32
      %mul3A_268 = arith.muli %sub3A_266, %mul3A_267 : i32
      %add3A_269 = arith.addi %mul3A_2, %mul3A_268 : i32
      %dma_wait3A_270 = arith.constant 0 : i32
      %dma_wait3A_271 = tpu.memref_slice %arg4[%add3A_269, %dma_wait3A_270] : memref<32768x1024xf32, #tpu.memory_space<hbm>> -> memref<8x1024xf32, #tpu.memory_space<hbm>>
      %dma_wait3A_272 = arith.constant 0 : i32
      %dma_wait3A_273 = tpu.memref_slice %arg4[%add3A_269, %dma_wait3A_272] : memref<32768x1024xf32, #tpu.memory_space<hbm>> -> memref<8x1024xf32, #tpu.memory_space<hbm>>
      tpu.wait_dma2 semaphore(%arg23 : memref<!tpu.dma_semaphore, #tpu.memory_space<semaphore_mem>>) src(%arg7 : memref<8x1024xf32, #tpu.memory_space<vmem>>) dst(%dma_wait3A_273 : memref<8x1024xf32, #tpu.memory_space<hbm>>)
      %add3A_274 = arith.constant 6 : i32
      %add3A_275 = arith.addi %add3A_251, %add3A_274 : i32
      %dma_start3A_276 = arith.constant 0 : i32
      %dma_start3A_277 = tpu.memref_slice %arg5[%add3A_275, %dma_start3A_276] : memref<128x8xi32, #tpu.memory_space<vmem>> -> memref<1x8xi32, #tpu.memory_space<vmem>>
      %dma_start3A_278 = tpu.memref_squeeze %dma_start3A_277 : memref<1x8xi32, #tpu.memory_space<vmem>> -> memref<8xi32, #tpu.memory_space<vmem>>
      %dma_start3A_279 = arith.constant 0 : i32
      %dma_start3A_280 = arith.constant 0 : i32
      %dma_start3A_281 = tpu.memref_slice %arg2[%dma_start3A_279, %dma_start3A_280] : memref<8192x1024xf32, #tpu.memory_space<hbm>> -> memref<8192x1024xf32, #tpu.memory_space<hbm>>
      tpu.enqueue_indirect_dma source(%dma_start3A_281 : memref<8192x1024xf32, #tpu.memory_space<hbm>>) target(%arg7 : memref<8x1024xf32, #tpu.memory_space<vmem>>) offsets(%dma_start3A_278 : memref<8xi32, #tpu.memory_space<vmem>>) semaphore(%arg15 : memref<!tpu.dma_semaphore, #tpu.memory_space<semaphore_mem>>)
      %add3A_282 = arith.constant 2 : i32
      %add3A_283 = arith.addi %add3A_218, %add3A_282 : i32
      %dma_wait3A_284 = arith.constant 0 : i32
      %dma_wait3A_285 = tpu.memref_slice %arg5[%add3A_283, %dma_wait3A_284] : memref<128x8xi32, #tpu.memory_space<vmem>> -> memref<1x8xi32, #tpu.memory_space<vmem>>
      %dma_wait3A_286 = tpu.memref_squeeze %dma_wait3A_285 : memref<1x8xi32, #tpu.memory_space<vmem>> -> memref<8xi32, #tpu.memory_space<vmem>>
      %dma_wait3A_287 = arith.constant 0 : i32
      %dma_wait3A_288 = arith.constant 0 : i32
      %dma_wait3A_289 = tpu.memref_slice %arg2[%dma_wait3A_287, %dma_wait3A_288] : memref<8192x1024xf32, #tpu.memory_space<hbm>> -> memref<8192x1024xf32, #tpu.memory_space<hbm>>
      tpu.wait_indirect_dma semaphore(%arg18 : memref<!tpu.dma_semaphore, #tpu.memory_space<semaphore_mem>>) src(%dma_wait3A_289 : memref<8192x1024xf32, #tpu.memory_space<hbm>>) dst(%arg10 : memref<8x1024xf32, #tpu.memory_space<vmem>>)
      %mul3A_290 = arith.constant 8 : i32
      %mul3A_291 = arith.muli %add3A_283, %mul3A_290 : i32
      %add3A_292 = arith.addi %mul3A_2, %mul3A_291 : i32
      %dma_start3A_293 = arith.constant 0 : i32
      %dma_start3A_294 = tpu.memref_slice %arg4[%add3A_292, %dma_start3A_293] : memref<32768x1024xf32, #tpu.memory_space<hbm>> -> memref<8x1024xf32, #tpu.memory_space<hbm>>
      %dma_start3A_295 = arith.constant 0 : i32
      %dma_start3A_296 = tpu.memref_slice %arg4[%add3A_292, %dma_start3A_295] : memref<32768x1024xf32, #tpu.memory_space<hbm>> -> memref<8x1024xf32, #tpu.memory_space<hbm>>
      tpu.enqueue_dma source(%arg10 : memref<8x1024xf32, #tpu.memory_space<vmem>>) target(%dma_start3A_296 : memref<8x1024xf32, #tpu.memory_space<hbm>>) target_semaphore(%arg26 : memref<!tpu.dma_semaphore, #tpu.memory_space<semaphore_mem>>)
      %sub3A_297 = arith.constant 2 : i32
      %sub3A_298 = arith.subi %add3A_283, %sub3A_297 : i32
      %mul3A_299 = arith.constant 8 : i32
      %mul3A_300 = arith.muli %sub3A_298, %mul3A_299 : i32
      %add3A_301 = arith.addi %mul3A_2, %mul3A_300 : i32
      %dma_wait3A_302 = arith.constant 0 : i32
      %dma_wait3A_303 = tpu.memref_slice %arg4[%add3A_301, %dma_wait3A_302] : memref<32768x1024xf32, #tpu.memory_space<hbm>> -> memref<8x1024xf32, #tpu.memory_space<hbm>>
      %dma_wait3A_304 = arith.constant 0 : i32
      %dma_wait3A_305 = tpu.memref_slice %arg4[%add3A_301, %dma_wait3A_304] : memref<32768x1024xf32, #tpu.memory_space<hbm>> -> memref<8x1024xf32, #tpu.memory_space<hbm>>
      tpu.wait_dma2 semaphore(%arg24 : memref<!tpu.dma_semaphore, #tpu.memory_space<semaphore_mem>>) src(%arg8 : memref<8x1024xf32, #tpu.memory_space<vmem>>) dst(%dma_wait3A_305 : memref<8x1024xf32, #tpu.memory_space<hbm>>)
      %add3A_306 = arith.constant 6 : i32
      %add3A_307 = arith.addi %add3A_283, %add3A_306 : i32
      %dma_start3A_308 = arith.constant 0 : i32
      %dma_start3A_309 = tpu.memref_slice %arg5[%add3A_307, %dma_start3A_308] : memref<128x8xi32, #tpu.memory_space<vmem>> -> memref<1x8xi32, #tpu.memory_space<vmem>>
      %dma_start3A_310 = tpu.memref_squeeze %dma_start3A_309 : memref<1x8xi32, #tpu.memory_space<vmem>> -> memref<8xi32, #tpu.memory_space<vmem>>
      %dma_start3A_311 = arith.constant 0 : i32
      %dma_start3A_312 = arith.constant 0 : i32
      %dma_start3A_313 = tpu.memref_slice %arg2[%dma_start3A_311, %dma_start3A_312] : memref<8192x1024xf32, #tpu.memory_space<hbm>> -> memref<8192x1024xf32, #tpu.memory_space<hbm>>
      tpu.enqueue_indirect_dma source(%dma_start3A_313 : memref<8192x1024xf32, #tpu.memory_space<hbm>>) target(%arg8 : memref<8x1024xf32, #tpu.memory_space<vmem>>) offsets(%dma_start3A_310 : memref<8xi32, #tpu.memory_space<vmem>>) semaphore(%arg16 : memref<!tpu.dma_semaphore, #tpu.memory_space<semaphore_mem>>)
      %add3A_314 = arith.constant 3 : i32
      %add3A_315 = arith.addi %add3A_218, %add3A_314 : i32
      %dma_wait3A_316 = arith.constant 0 : i32
      %dma_wait3A_317 = tpu.memref_slice %arg5[%add3A_315, %dma_wait3A_316] : memref<128x8xi32, #tpu.memory_space<vmem>> -> memref<1x8xi32, #tpu.memory_space<vmem>>
      %dma_wait3A_318 = tpu.memref_squeeze %dma_wait3A_317 : memref<1x8xi32, #tpu.memory_space<vmem>> -> memref<8xi32, #tpu.memory_space<vmem>>
      %dma_wait3A_319 = arith.constant 0 : i32
      %dma_wait3A_320 = arith.constant 0 : i32
      %dma_wait3A_321 = tpu.memref_slice %arg2[%dma_wait3A_319, %dma_wait3A_320] : memref<8192x1024xf32, #tpu.memory_space<hbm>> -> memref<8192x1024xf32, #tpu.memory_space<hbm>>
      tpu.wait_indirect_dma semaphore(%arg19 : memref<!tpu.dma_semaphore, #tpu.memory_space<semaphore_mem>>) src(%dma_wait3A_321 : memref<8192x1024xf32, #tpu.memory_space<hbm>>) dst(%arg11 : memref<8x1024xf32, #tpu.memory_space<vmem>>)
      %mul3A_322 = arith.constant 8 : i32
      %mul3A_323 = arith.muli %add3A_315, %mul3A_322 : i32
      %add3A_324 = arith.addi %mul3A_2, %mul3A_323 : i32
      %dma_start3A_325 = arith.constant 0 : i32
      %dma_start3A_326 = tpu.memref_slice %arg4[%add3A_324, %dma_start3A_325] : memref<32768x1024xf32, #tpu.memory_space<hbm>> -> memref<8x1024xf32, #tpu.memory_space<hbm>>
      %dma_start3A_327 = arith.constant 0 : i32
      %dma_start3A_328 = tpu.memref_slice %arg4[%add3A_324, %dma_start3A_327] : memref<32768x1024xf32, #tpu.memory_space<hbm>> -> memref<8x1024xf32, #tpu.memory_space<hbm>>
      tpu.enqueue_dma source(%arg11 : memref<8x1024xf32, #tpu.memory_space<vmem>>) target(%dma_start3A_328 : memref<8x1024xf32, #tpu.memory_space<hbm>>) target_semaphore(%arg27 : memref<!tpu.dma_semaphore, #tpu.memory_space<semaphore_mem>>)
      %sub3A_329 = arith.constant 2 : i32
      %sub3A_330 = arith.subi %add3A_315, %sub3A_329 : i32
      %mul3A_331 = arith.constant 8 : i32
      %mul3A_332 = arith.muli %sub3A_330, %mul3A_331 : i32
      %add3A_333 = arith.addi %mul3A_2, %mul3A_332 : i32
      %dma_wait3A_334 = arith.constant 0 : i32
      %dma_wait3A_335 = tpu.memref_slice %arg4[%add3A_333, %dma_wait3A_334] : memref<32768x1024xf32, #tpu.memory_space<hbm>> -> memref<8x1024xf32, #tpu.memory_space<hbm>>
      %dma_wait3A_336 = arith.constant 0 : i32
      %dma_wait3A_337 = tpu.memref_slice %arg4[%add3A_333, %dma_wait3A_336] : memref<32768x1024xf32, #tpu.memory_space<hbm>> -> memref<8x1024xf32, #tpu.memory_space<hbm>>
      tpu.wait_dma2 semaphore(%arg25 : memref<!tpu.dma_semaphore, #tpu.memory_space<semaphore_mem>>) src(%arg9 : memref<8x1024xf32, #tpu.memory_space<vmem>>) dst(%dma_wait3A_337 : memref<8x1024xf32, #tpu.memory_space<hbm>>)
      %add3A_338 = arith.constant 6 : i32
      %add3A_339 = arith.addi %add3A_315, %add3A_338 : i32
      %dma_start3A_340 = arith.constant 0 : i32
      %dma_start3A_341 = tpu.memref_slice %arg5[%add3A_339, %dma_start3A_340] : memref<128x8xi32, #tpu.memory_space<vmem>> -> memref<1x8xi32, #tpu.memory_space<vmem>>
      %dma_start3A_342 = tpu.memref_squeeze %dma_start3A_341 : memref<1x8xi32, #tpu.memory_space<vmem>> -> memref<8xi32, #tpu.memory_space<vmem>>
      %dma_start3A_343 = arith.constant 0 : i32
      %dma_start3A_344 = arith.constant 0 : i32
      %dma_start3A_345 = tpu.memref_slice %arg2[%dma_start3A_343, %dma_start3A_344] : memref<8192x1024xf32, #tpu.memory_space<hbm>> -> memref<8192x1024xf32, #tpu.memory_space<hbm>>
      tpu.enqueue_indirect_dma source(%dma_start3A_345 : memref<8192x1024xf32, #tpu.memory_space<hbm>>) target(%arg9 : memref<8x1024xf32, #tpu.memory_space<vmem>>) offsets(%dma_start3A_342 : memref<8xi32, #tpu.memory_space<vmem>>) semaphore(%arg17 : memref<!tpu.dma_semaphore, #tpu.memory_space<semaphore_mem>>)
      %add3A_346 = arith.constant 4 : i32
      %add3A_347 = arith.addi %add3A_218, %add3A_346 : i32
      %dma_wait3A_348 = arith.constant 0 : i32
      %dma_wait3A_349 = tpu.memref_slice %arg5[%add3A_347, %dma_wait3A_348] : memref<128x8xi32, #tpu.memory_space<vmem>> -> memref<1x8xi32, #tpu.memory_space<vmem>>
      %dma_wait3A_350 = tpu.memref_squeeze %dma_wait3A_349 : memref<1x8xi32, #tpu.memory_space<vmem>> -> memref<8xi32, #tpu.memory_space<vmem>>
      %dma_wait3A_351 = arith.constant 0 : i32
      %dma_wait3A_352 = arith.constant 0 : i32
      %dma_wait3A_353 = tpu.memref_slice %arg2[%dma_wait3A_351, %dma_wait3A_352] : memref<8192x1024xf32, #tpu.memory_space<hbm>> -> memref<8192x1024xf32, #tpu.memory_space<hbm>>
      tpu.wait_indirect_dma semaphore(%arg20 : memref<!tpu.dma_semaphore, #tpu.memory_space<semaphore_mem>>) src(%dma_wait3A_353 : memref<8192x1024xf32, #tpu.memory_space<hbm>>) dst(%arg12 : memref<8x1024xf32, #tpu.memory_space<vmem>>)
      %mul3A_354 = arith.constant 8 : i32
      %mul3A_355 = arith.muli %add3A_347, %mul3A_354 : i32
      %add3A_356 = arith.addi %mul3A_2, %mul3A_355 : i32
      %dma_start3A_357 = arith.constant 0 : i32
      %dma_start3A_358 = tpu.memref_slice %arg4[%add3A_356, %dma_start3A_357] : memref<32768x1024xf32, #tpu.memory_space<hbm>> -> memref<8x1024xf32, #tpu.memory_space<hbm>>
      %dma_start3A_359 = arith.constant 0 : i32
      %dma_start3A_360 = tpu.memref_slice %arg4[%add3A_356, %dma_start3A_359] : memref<32768x1024xf32, #tpu.memory_space<hbm>> -> memref<8x1024xf32, #tpu.memory_space<hbm>>
      tpu.enqueue_dma source(%arg12 : memref<8x1024xf32, #tpu.memory_space<vmem>>) target(%dma_start3A_360 : memref<8x1024xf32, #tpu.memory_space<hbm>>) target_semaphore(%arg28 : memref<!tpu.dma_semaphore, #tpu.memory_space<semaphore_mem>>)
      %sub3A_361 = arith.constant 2 : i32
      %sub3A_362 = arith.subi %add3A_347, %sub3A_361 : i32
      %mul3A_363 = arith.constant 8 : i32
      %mul3A_364 = arith.muli %sub3A_362, %mul3A_363 : i32
      %add3A_365 = arith.addi %mul3A_2, %mul3A_364 : i32
      %dma_wait3A_366 = arith.constant 0 : i32
      %dma_wait3A_367 = tpu.memref_slice %arg4[%add3A_365, %dma_wait3A_366] : memref<32768x1024xf32, #tpu.memory_space<hbm>> -> memref<8x1024xf32, #tpu.memory_space<hbm>>
      %dma_wait3A_368 = arith.constant 0 : i32
      %dma_wait3A_369 = tpu.memref_slice %arg4[%add3A_365, %dma_wait3A_368] : memref<32768x1024xf32, #tpu.memory_space<hbm>> -> memref<8x1024xf32, #tpu.memory_space<hbm>>
      tpu.wait_dma2 semaphore(%arg26 : memref<!tpu.dma_semaphore, #tpu.memory_space<semaphore_mem>>) src(%arg10 : memref<8x1024xf32, #tpu.memory_space<vmem>>) dst(%dma_wait3A_369 : memref<8x1024xf32, #tpu.memory_space<hbm>>)
      %add3A_370 = arith.constant 6 : i32
      %add3A_371 = arith.addi %add3A_347, %add3A_370 : i32
      %dma_start3A_372 = arith.constant 0 : i32
      %dma_start3A_373 = tpu.memref_slice %arg5[%add3A_371, %dma_start3A_372] : memref<128x8xi32, #tpu.memory_space<vmem>> -> memref<1x8xi32, #tpu.memory_space<vmem>>
      %dma_start3A_374 = tpu.memref_squeeze %dma_start3A_373 : memref<1x8xi32, #tpu.memory_space<vmem>> -> memref<8xi32, #tpu.memory_space<vmem>>
      %dma_start3A_375 = arith.constant 0 : i32
      %dma_start3A_376 = arith.constant 0 : i32
      %dma_start3A_377 = tpu.memref_slice %arg2[%dma_start3A_375, %dma_start3A_376] : memref<8192x1024xf32, #tpu.memory_space<hbm>> -> memref<8192x1024xf32, #tpu.memory_space<hbm>>
      tpu.enqueue_indirect_dma source(%dma_start3A_377 : memref<8192x1024xf32, #tpu.memory_space<hbm>>) target(%arg10 : memref<8x1024xf32, #tpu.memory_space<vmem>>) offsets(%dma_start3A_374 : memref<8xi32, #tpu.memory_space<vmem>>) semaphore(%arg18 : memref<!tpu.dma_semaphore, #tpu.memory_space<semaphore_mem>>)
      %add3A_378 = arith.constant 5 : i32
      %add3A_379 = arith.addi %add3A_218, %add3A_378 : i32
      %dma_wait3A_380 = arith.constant 0 : i32
      %dma_wait3A_381 = tpu.memref_slice %arg5[%add3A_379, %dma_wait3A_380] : memref<128x8xi32, #tpu.memory_space<vmem>> -> memref<1x8xi32, #tpu.memory_space<vmem>>
      %dma_wait3A_382 = tpu.memref_squeeze %dma_wait3A_381 : memref<1x8xi32, #tpu.memory_space<vmem>> -> memref<8xi32, #tpu.memory_space<vmem>>
      %dma_wait3A_383 = arith.constant 0 : i32
      %dma_wait3A_384 = arith.constant 0 : i32
      %dma_wait3A_385 = tpu.memref_slice %arg2[%dma_wait3A_383, %dma_wait3A_384] : memref<8192x1024xf32, #tpu.memory_space<hbm>> -> memref<8192x1024xf32, #tpu.memory_space<hbm>>
      tpu.wait_indirect_dma semaphore(%arg21 : memref<!tpu.dma_semaphore, #tpu.memory_space<semaphore_mem>>) src(%dma_wait3A_385 : memref<8192x1024xf32, #tpu.memory_space<hbm>>) dst(%arg13 : memref<8x1024xf32, #tpu.memory_space<vmem>>)
      %mul3A_386 = arith.constant 8 : i32
      %mul3A_387 = arith.muli %add3A_379, %mul3A_386 : i32
      %add3A_388 = arith.addi %mul3A_2, %mul3A_387 : i32
      %dma_start3A_389 = arith.constant 0 : i32
      %dma_start3A_390 = tpu.memref_slice %arg4[%add3A_388, %dma_start3A_389] : memref<32768x1024xf32, #tpu.memory_space<hbm>> -> memref<8x1024xf32, #tpu.memory_space<hbm>>
      %dma_start3A_391 = arith.constant 0 : i32
      %dma_start3A_392 = tpu.memref_slice %arg4[%add3A_388, %dma_start3A_391] : memref<32768x1024xf32, #tpu.memory_space<hbm>> -> memref<8x1024xf32, #tpu.memory_space<hbm>>
      tpu.enqueue_dma source(%arg13 : memref<8x1024xf32, #tpu.memory_space<vmem>>) target(%dma_start3A_392 : memref<8x1024xf32, #tpu.memory_space<hbm>>) target_semaphore(%arg29 : memref<!tpu.dma_semaphore, #tpu.memory_space<semaphore_mem>>)
      %sub3A_393 = arith.constant 2 : i32
      %sub3A_394 = arith.subi %add3A_379, %sub3A_393 : i32
      %mul3A_395 = arith.constant 8 : i32
      %mul3A_396 = arith.muli %sub3A_394, %mul3A_395 : i32
      %add3A_397 = arith.addi %mul3A_2, %mul3A_396 : i32
      %dma_wait3A_398 = arith.constant 0 : i32
      %dma_wait3A_399 = tpu.memref_slice %arg4[%add3A_397, %dma_wait3A_398] : memref<32768x1024xf32, #tpu.memory_space<hbm>> -> memref<8x1024xf32, #tpu.memory_space<hbm>>
      %dma_wait3A_400 = arith.constant 0 : i32
      %dma_wait3A_401 = tpu.memref_slice %arg4[%add3A_397, %dma_wait3A_400] : memref<32768x1024xf32, #tpu.memory_space<hbm>> -> memref<8x1024xf32, #tpu.memory_space<hbm>>
      tpu.wait_dma2 semaphore(%arg27 : memref<!tpu.dma_semaphore, #tpu.memory_space<semaphore_mem>>) src(%arg11 : memref<8x1024xf32, #tpu.memory_space<vmem>>) dst(%dma_wait3A_401 : memref<8x1024xf32, #tpu.memory_space<hbm>>)
      %add3A_402 = arith.constant 6 : i32
      %add3A_403 = arith.addi %add3A_379, %add3A_402 : i32
      %dma_start3A_404 = arith.constant 0 : i32
      %dma_start3A_405 = tpu.memref_slice %arg5[%add3A_403, %dma_start3A_404] : memref<128x8xi32, #tpu.memory_space<vmem>> -> memref<1x8xi32, #tpu.memory_space<vmem>>
      %dma_start3A_406 = tpu.memref_squeeze %dma_start3A_405 : memref<1x8xi32, #tpu.memory_space<vmem>> -> memref<8xi32, #tpu.memory_space<vmem>>
      %dma_start3A_407 = arith.constant 0 : i32
      %dma_start3A_408 = arith.constant 0 : i32
      %dma_start3A_409 = tpu.memref_slice %arg2[%dma_start3A_407, %dma_start3A_408] : memref<8192x1024xf32, #tpu.memory_space<hbm>> -> memref<8192x1024xf32, #tpu.memory_space<hbm>>
      tpu.enqueue_indirect_dma source(%dma_start3A_409 : memref<8192x1024xf32, #tpu.memory_space<hbm>>) target(%arg11 : memref<8x1024xf32, #tpu.memory_space<vmem>>) offsets(%dma_start3A_406 : memref<8xi32, #tpu.memory_space<vmem>>) semaphore(%arg19 : memref<!tpu.dma_semaphore, #tpu.memory_space<semaphore_mem>>)
      %add3A_410 = arith.constant 6 : i32
      %add3A_411 = arith.addi %add3A_218, %add3A_410 : i32
      %dma_wait3A_412 = arith.constant 0 : i32
      %dma_wait3A_413 = tpu.memref_slice %arg5[%add3A_411, %dma_wait3A_412] : memref<128x8xi32, #tpu.memory_space<vmem>> -> memref<1x8xi32, #tpu.memory_space<vmem>>
      %dma_wait3A_414 = tpu.memref_squeeze %dma_wait3A_413 : memref<1x8xi32, #tpu.memory_space<vmem>> -> memref<8xi32, #tpu.memory_space<vmem>>
      %dma_wait3A_415 = arith.constant 0 : i32
      %dma_wait3A_416 = arith.constant 0 : i32
      %dma_wait3A_417 = tpu.memref_slice %arg2[%dma_wait3A_415, %dma_wait3A_416] : memref<8192x1024xf32, #tpu.memory_space<hbm>> -> memref<8192x1024xf32, #tpu.memory_space<hbm>>
      tpu.wait_indirect_dma semaphore(%arg14 : memref<!tpu.dma_semaphore, #tpu.memory_space<semaphore_mem>>) src(%dma_wait3A_417 : memref<8192x1024xf32, #tpu.memory_space<hbm>>) dst(%arg6 : memref<8x1024xf32, #tpu.memory_space<vmem>>)
      %mul3A_418 = arith.constant 8 : i32
      %mul3A_419 = arith.muli %add3A_411, %mul3A_418 : i32
      %add3A_420 = arith.addi %mul3A_2, %mul3A_419 : i32
      %dma_start3A_421 = arith.constant 0 : i32
      %dma_start3A_422 = tpu.memref_slice %arg4[%add3A_420, %dma_start3A_421] : memref<32768x1024xf32, #tpu.memory_space<hbm>> -> memref<8x1024xf32, #tpu.memory_space<hbm>>
      %dma_start3A_423 = arith.constant 0 : i32
      %dma_start3A_424 = tpu.memref_slice %arg4[%add3A_420, %dma_start3A_423] : memref<32768x1024xf32, #tpu.memory_space<hbm>> -> memref<8x1024xf32, #tpu.memory_space<hbm>>
      tpu.enqueue_dma source(%arg6 : memref<8x1024xf32, #tpu.memory_space<vmem>>) target(%dma_start3A_424 : memref<8x1024xf32, #tpu.memory_space<hbm>>) target_semaphore(%arg22 : memref<!tpu.dma_semaphore, #tpu.memory_space<semaphore_mem>>)
      %sub3A_425 = arith.constant 2 : i32
      %sub3A_426 = arith.subi %add3A_411, %sub3A_425 : i32
      %mul3A_427 = arith.constant 8 : i32
      %mul3A_428 = arith.muli %sub3A_426, %mul3A_427 : i32
      %add3A_429 = arith.addi %mul3A_2, %mul3A_428 : i32
      %dma_wait3A_430 = arith.constant 0 : i32
      %dma_wait3A_431 = tpu.memref_slice %arg4[%add3A_429, %dma_wait3A_430] : memref<32768x1024xf32, #tpu.memory_space<hbm>> -> memref<8x1024xf32, #tpu.memory_space<hbm>>
      %dma_wait3A_432 = arith.constant 0 : i32
      %dma_wait3A_433 = tpu.memref_slice %arg4[%add3A_429, %dma_wait3A_432] : memref<32768x1024xf32, #tpu.memory_space<hbm>> -> memref<8x1024xf32, #tpu.memory_space<hbm>>
      tpu.wait_dma2 semaphore(%arg28 : memref<!tpu.dma_semaphore, #tpu.memory_space<semaphore_mem>>) src(%arg12 : memref<8x1024xf32, #tpu.memory_space<vmem>>) dst(%dma_wait3A_433 : memref<8x1024xf32, #tpu.memory_space<hbm>>)
      %add3A_434 = arith.constant 6 : i32
      %add3A_435 = arith.addi %add3A_411, %add3A_434 : i32
      %dma_start3A_436 = arith.constant 0 : i32
      %dma_start3A_437 = tpu.memref_slice %arg5[%add3A_435, %dma_start3A_436] : memref<128x8xi32, #tpu.memory_space<vmem>> -> memref<1x8xi32, #tpu.memory_space<vmem>>
      %dma_start3A_438 = tpu.memref_squeeze %dma_start3A_437 : memref<1x8xi32, #tpu.memory_space<vmem>> -> memref<8xi32, #tpu.memory_space<vmem>>
      %dma_start3A_439 = arith.constant 0 : i32
      %dma_start3A_440 = arith.constant 0 : i32
      %dma_start3A_441 = tpu.memref_slice %arg2[%dma_start3A_439, %dma_start3A_440] : memref<8192x1024xf32, #tpu.memory_space<hbm>> -> memref<8192x1024xf32, #tpu.memory_space<hbm>>
      tpu.enqueue_indirect_dma source(%dma_start3A_441 : memref<8192x1024xf32, #tpu.memory_space<hbm>>) target(%arg12 : memref<8x1024xf32, #tpu.memory_space<vmem>>) offsets(%dma_start3A_438 : memref<8xi32, #tpu.memory_space<vmem>>) semaphore(%arg20 : memref<!tpu.dma_semaphore, #tpu.memory_space<semaphore_mem>>)
      %add3A_442 = arith.constant 7 : i32
      %add3A_443 = arith.addi %add3A_218, %add3A_442 : i32
      %dma_wait3A_444 = arith.constant 0 : i32
      %dma_wait3A_445 = tpu.memref_slice %arg5[%add3A_443, %dma_wait3A_444] : memref<128x8xi32, #tpu.memory_space<vmem>> -> memref<1x8xi32, #tpu.memory_space<vmem>>
      %dma_wait3A_446 = tpu.memref_squeeze %dma_wait3A_445 : memref<1x8xi32, #tpu.memory_space<vmem>> -> memref<8xi32, #tpu.memory_space<vmem>>
      %dma_wait3A_447 = arith.constant 0 : i32
      %dma_wait3A_448 = arith.constant 0 : i32
      %dma_wait3A_449 = tpu.memref_slice %arg2[%dma_wait3A_447, %dma_wait3A_448] : memref<8192x1024xf32, #tpu.memory_space<hbm>> -> memref<8192x1024xf32, #tpu.memory_space<hbm>>
      tpu.wait_indirect_dma semaphore(%arg15 : memref<!tpu.dma_semaphore, #tpu.memory_space<semaphore_mem>>) src(%dma_wait3A_449 : memref<8192x1024xf32, #tpu.memory_space<hbm>>) dst(%arg7 : memref<8x1024xf32, #tpu.memory_space<vmem>>)
      %mul3A_450 = arith.constant 8 : i32
      %mul3A_451 = arith.muli %add3A_443, %mul3A_450 : i32
      %add3A_452 = arith.addi %mul3A_2, %mul3A_451 : i32
      %dma_start3A_453 = arith.constant 0 : i32
      %dma_start3A_454 = tpu.memref_slice %arg4[%add3A_452, %dma_start3A_453] : memref<32768x1024xf32, #tpu.memory_space<hbm>> -> memref<8x1024xf32, #tpu.memory_space<hbm>>
      %dma_start3A_455 = arith.constant 0 : i32
      %dma_start3A_456 = tpu.memref_slice %arg4[%add3A_452, %dma_start3A_455] : memref<32768x1024xf32, #tpu.memory_space<hbm>> -> memref<8x1024xf32, #tpu.memory_space<hbm>>
      tpu.enqueue_dma source(%arg7 : memref<8x1024xf32, #tpu.memory_space<vmem>>) target(%dma_start3A_456 : memref<8x1024xf32, #tpu.memory_space<hbm>>) target_semaphore(%arg23 : memref<!tpu.dma_semaphore, #tpu.memory_space<semaphore_mem>>)
      %sub3A_457 = arith.constant 2 : i32
      %sub3A_458 = arith.subi %add3A_443, %sub3A_457 : i32
      %mul3A_459 = arith.constant 8 : i32
      %mul3A_460 = arith.muli %sub3A_458, %mul3A_459 : i32
      %add3A_461 = arith.addi %mul3A_2, %mul3A_460 : i32
      %dma_wait3A_462 = arith.constant 0 : i32
      %dma_wait3A_463 = tpu.memref_slice %arg4[%add3A_461, %dma_wait3A_462] : memref<32768x1024xf32, #tpu.memory_space<hbm>> -> memref<8x1024xf32, #tpu.memory_space<hbm>>
      %dma_wait3A_464 = arith.constant 0 : i32
      %dma_wait3A_465 = tpu.memref_slice %arg4[%add3A_461, %dma_wait3A_464] : memref<32768x1024xf32, #tpu.memory_space<hbm>> -> memref<8x1024xf32, #tpu.memory_space<hbm>>
      tpu.wait_dma2 semaphore(%arg29 : memref<!tpu.dma_semaphore, #tpu.memory_space<semaphore_mem>>) src(%arg13 : memref<8x1024xf32, #tpu.memory_space<vmem>>) dst(%dma_wait3A_465 : memref<8x1024xf32, #tpu.memory_space<hbm>>)
      %add3A_466 = arith.constant 6 : i32
      %add3A_467 = arith.addi %add3A_443, %add3A_466 : i32
      %dma_start3A_468 = arith.constant 0 : i32
      %dma_start3A_469 = tpu.memref_slice %arg5[%add3A_467, %dma_start3A_468] : memref<128x8xi32, #tpu.memory_space<vmem>> -> memref<1x8xi32, #tpu.memory_space<vmem>>
      %dma_start3A_470 = tpu.memref_squeeze %dma_start3A_469 : memref<1x8xi32, #tpu.memory_space<vmem>> -> memref<8xi32, #tpu.memory_space<vmem>>
      %dma_start3A_471 = arith.constant 0 : i32
      %dma_start3A_472 = arith.constant 0 : i32
      %dma_start3A_473 = tpu.memref_slice %arg2[%dma_start3A_471, %dma_start3A_472] : memref<8192x1024xf32, #tpu.memory_space<hbm>> -> memref<8192x1024xf32, #tpu.memory_space<hbm>>
      tpu.enqueue_indirect_dma source(%dma_start3A_473 : memref<8192x1024xf32, #tpu.memory_space<hbm>>) target(%arg13 : memref<8x1024xf32, #tpu.memory_space<vmem>>) offsets(%dma_start3A_470 : memref<8xi32, #tpu.memory_space<vmem>>) semaphore(%arg21 : memref<!tpu.dma_semaphore, #tpu.memory_space<semaphore_mem>>)
    }
    %scan3A_87 = arith.constant 15 : i32
    %dma_wait3A_88 = arith.constant 122 : i32
    %dma_wait3A_89 = arith.constant 0 : i32
    %dma_wait3A_90 = tpu.memref_slice %arg5[%dma_wait3A_88, %dma_wait3A_89] : memref<128x8xi32, #tpu.memory_space<vmem>> -> memref<1x8xi32, #tpu.memory_space<vmem>>
    %dma_wait3A_91 = tpu.memref_squeeze %dma_wait3A_90 : memref<1x8xi32, #tpu.memory_space<vmem>> -> memref<8xi32, #tpu.memory_space<vmem>>
    %dma_wait3A_92 = arith.constant 0 : i32
    %dma_wait3A_93 = arith.constant 0 : i32
    %dma_wait3A_94 = tpu.memref_slice %arg2[%dma_wait3A_92, %dma_wait3A_93] : memref<8192x1024xf32, #tpu.memory_space<hbm>> -> memref<8192x1024xf32, #tpu.memory_space<hbm>>
    tpu.wait_indirect_dma semaphore(%arg16 : memref<!tpu.dma_semaphore, #tpu.memory_space<semaphore_mem>>) src(%dma_wait3A_94 : memref<8192x1024xf32, #tpu.memory_space<hbm>>) dst(%arg8 : memref<8x1024xf32, #tpu.memory_space<vmem>>)
    %add3A_95 = arith.constant 976 : i32
    %add3A_96 = arith.addi %mul3A_2, %add3A_95 : i32
    %dma_start3A_97 = arith.constant 0 : i32
    %dma_start3A_98 = tpu.memref_slice %arg4[%add3A_96, %dma_start3A_97] : memref<32768x1024xf32, #tpu.memory_space<hbm>> -> memref<8x1024xf32, #tpu.memory_space<hbm>>
    %dma_start3A_99 = arith.constant 0 : i32
    %dma_start3A_100 = tpu.memref_slice %arg4[%add3A_96, %dma_start3A_99] : memref<32768x1024xf32, #tpu.memory_space<hbm>> -> memref<8x1024xf32, #tpu.memory_space<hbm>>
    tpu.enqueue_dma source(%arg8 : memref<8x1024xf32, #tpu.memory_space<vmem>>) target(%dma_start3A_100 : memref<8x1024xf32, #tpu.memory_space<hbm>>) target_semaphore(%arg24 : memref<!tpu.dma_semaphore, #tpu.memory_space<semaphore_mem>>)
    %add3A_101 = arith.constant 960 : i32
    %add3A_102 = arith.addi %mul3A_2, %add3A_101 : i32
    %dma_wait3A_103 = arith.constant 0 : i32
    %dma_wait3A_104 = tpu.memref_slice %arg4[%add3A_102, %dma_wait3A_103] : memref<32768x1024xf32, #tpu.memory_space<hbm>> -> memref<8x1024xf32, #tpu.memory_space<hbm>>
    %dma_wait3A_105 = arith.constant 0 : i32
    %dma_wait3A_106 = tpu.memref_slice %arg4[%add3A_102, %dma_wait3A_105] : memref<32768x1024xf32, #tpu.memory_space<hbm>> -> memref<8x1024xf32, #tpu.memory_space<hbm>>
    tpu.wait_dma2 semaphore(%arg22 : memref<!tpu.dma_semaphore, #tpu.memory_space<semaphore_mem>>) src(%arg6 : memref<8x1024xf32, #tpu.memory_space<vmem>>) dst(%dma_wait3A_106 : memref<8x1024xf32, #tpu.memory_space<hbm>>)
    %dma_wait3A_107 = arith.constant 123 : i32
    %dma_wait3A_108 = arith.constant 0 : i32
    %dma_wait3A_109 = tpu.memref_slice %arg5[%dma_wait3A_107, %dma_wait3A_108] : memref<128x8xi32, #tpu.memory_space<vmem>> -> memref<1x8xi32, #tpu.memory_space<vmem>>
    %dma_wait3A_110 = tpu.memref_squeeze %dma_wait3A_109 : memref<1x8xi32, #tpu.memory_space<vmem>> -> memref<8xi32, #tpu.memory_space<vmem>>
    %dma_wait3A_111 = arith.constant 0 : i32
    %dma_wait3A_112 = arith.constant 0 : i32
    %dma_wait3A_113 = tpu.memref_slice %arg2[%dma_wait3A_111, %dma_wait3A_112] : memref<8192x1024xf32, #tpu.memory_space<hbm>> -> memref<8192x1024xf32, #tpu.memory_space<hbm>>
    tpu.wait_indirect_dma semaphore(%arg17 : memref<!tpu.dma_semaphore, #tpu.memory_space<semaphore_mem>>) src(%dma_wait3A_113 : memref<8192x1024xf32, #tpu.memory_space<hbm>>) dst(%arg9 : memref<8x1024xf32, #tpu.memory_space<vmem>>)
    %add3A_114 = arith.constant 984 : i32
    %add3A_115 = arith.addi %mul3A_2, %add3A_114 : i32
    %dma_start3A_116 = arith.constant 0 : i32
    %dma_start3A_117 = tpu.memref_slice %arg4[%add3A_115, %dma_start3A_116] : memref<32768x1024xf32, #tpu.memory_space<hbm>> -> memref<8x1024xf32, #tpu.memory_space<hbm>>
    %dma_start3A_118 = arith.constant 0 : i32
    %dma_start3A_119 = tpu.memref_slice %arg4[%add3A_115, %dma_start3A_118] : memref<32768x1024xf32, #tpu.memory_space<hbm>> -> memref<8x1024xf32, #tpu.memory_space<hbm>>
    tpu.enqueue_dma source(%arg9 : memref<8x1024xf32, #tpu.memory_space<vmem>>) target(%dma_start3A_119 : memref<8x1024xf32, #tpu.memory_space<hbm>>) target_semaphore(%arg25 : memref<!tpu.dma_semaphore, #tpu.memory_space<semaphore_mem>>)
    %add3A_120 = arith.constant 968 : i32
    %add3A_121 = arith.addi %mul3A_2, %add3A_120 : i32
    %dma_wait3A_122 = arith.constant 0 : i32
    %dma_wait3A_123 = tpu.memref_slice %arg4[%add3A_121, %dma_wait3A_122] : memref<32768x1024xf32, #tpu.memory_space<hbm>> -> memref<8x1024xf32, #tpu.memory_space<hbm>>
    %dma_wait3A_124 = arith.constant 0 : i32
    %dma_wait3A_125 = tpu.memref_slice %arg4[%add3A_121, %dma_wait3A_124] : memref<32768x1024xf32, #tpu.memory_space<hbm>> -> memref<8x1024xf32, #tpu.memory_space<hbm>>
    tpu.wait_dma2 semaphore(%arg23 : memref<!tpu.dma_semaphore, #tpu.memory_space<semaphore_mem>>) src(%arg7 : memref<8x1024xf32, #tpu.memory_space<vmem>>) dst(%dma_wait3A_125 : memref<8x1024xf32, #tpu.memory_space<hbm>>)
    %dma_wait3A_126 = arith.constant 124 : i32
    %dma_wait3A_127 = arith.constant 0 : i32
    %dma_wait3A_128 = tpu.memref_slice %arg5[%dma_wait3A_126, %dma_wait3A_127] : memref<128x8xi32, #tpu.memory_space<vmem>> -> memref<1x8xi32, #tpu.memory_space<vmem>>
    %dma_wait3A_129 = tpu.memref_squeeze %dma_wait3A_128 : memref<1x8xi32, #tpu.memory_space<vmem>> -> memref<8xi32, #tpu.memory_space<vmem>>
    %dma_wait3A_130 = arith.constant 0 : i32
    %dma_wait3A_131 = arith.constant 0 : i32
    %dma_wait3A_132 = tpu.memref_slice %arg2[%dma_wait3A_130, %dma_wait3A_131] : memref<8192x1024xf32, #tpu.memory_space<hbm>> -> memref<8192x1024xf32, #tpu.memory_space<hbm>>
    tpu.wait_indirect_dma semaphore(%arg18 : memref<!tpu.dma_semaphore, #tpu.memory_space<semaphore_mem>>) src(%dma_wait3A_132 : memref<8192x1024xf32, #tpu.memory_space<hbm>>) dst(%arg10 : memref<8x1024xf32, #tpu.memory_space<vmem>>)
    %add3A_133 = arith.constant 992 : i32
    %add3A_134 = arith.addi %mul3A_2, %add3A_133 : i32
    %dma_start3A_135 = arith.constant 0 : i32
    %dma_start3A_136 = tpu.memref_slice %arg4[%add3A_134, %dma_start3A_135] : memref<32768x1024xf32, #tpu.memory_space<hbm>> -> memref<8x1024xf32, #tpu.memory_space<hbm>>
    %dma_start3A_137 = arith.constant 0 : i32
    %dma_start3A_138 = tpu.memref_slice %arg4[%add3A_134, %dma_start3A_137] : memref<32768x1024xf32, #tpu.memory_space<hbm>> -> memref<8x1024xf32, #tpu.memory_space<hbm>>
    tpu.enqueue_dma source(%arg10 : memref<8x1024xf32, #tpu.memory_space<vmem>>) target(%dma_start3A_138 : memref<8x1024xf32, #tpu.memory_space<hbm>>) target_semaphore(%arg26 : memref<!tpu.dma_semaphore, #tpu.memory_space<semaphore_mem>>)
    %add3A_139 = arith.constant 976 : i32
    %add3A_140 = arith.addi %mul3A_2, %add3A_139 : i32
    %dma_wait3A_141 = arith.constant 0 : i32
    %dma_wait3A_142 = tpu.memref_slice %arg4[%add3A_140, %dma_wait3A_141] : memref<32768x1024xf32, #tpu.memory_space<hbm>> -> memref<8x1024xf32, #tpu.memory_space<hbm>>
    %dma_wait3A_143 = arith.constant 0 : i32
    %dma_wait3A_144 = tpu.memref_slice %arg4[%add3A_140, %dma_wait3A_143] : memref<32768x1024xf32, #tpu.memory_space<hbm>> -> memref<8x1024xf32, #tpu.memory_space<hbm>>
    tpu.wait_dma2 semaphore(%arg24 : memref<!tpu.dma_semaphore, #tpu.memory_space<semaphore_mem>>) src(%arg8 : memref<8x1024xf32, #tpu.memory_space<vmem>>) dst(%dma_wait3A_144 : memref<8x1024xf32, #tpu.memory_space<hbm>>)
    %dma_wait3A_145 = arith.constant 125 : i32
    %dma_wait3A_146 = arith.constant 0 : i32
    %dma_wait3A_147 = tpu.memref_slice %arg5[%dma_wait3A_145, %dma_wait3A_146] : memref<128x8xi32, #tpu.memory_space<vmem>> -> memref<1x8xi32, #tpu.memory_space<vmem>>
    %dma_wait3A_148 = tpu.memref_squeeze %dma_wait3A_147 : memref<1x8xi32, #tpu.memory_space<vmem>> -> memref<8xi32, #tpu.memory_space<vmem>>
    %dma_wait3A_149 = arith.constant 0 : i32
    %dma_wait3A_150 = arith.constant 0 : i32
    %dma_wait3A_151 = tpu.memref_slice %arg2[%dma_wait3A_149, %dma_wait3A_150] : memref<8192x1024xf32, #tpu.memory_space<hbm>> -> memref<8192x1024xf32, #tpu.memory_space<hbm>>
    tpu.wait_indirect_dma semaphore(%arg19 : memref<!tpu.dma_semaphore, #tpu.memory_space<semaphore_mem>>) src(%dma_wait3A_151 : memref<8192x1024xf32, #tpu.memory_space<hbm>>) dst(%arg11 : memref<8x1024xf32, #tpu.memory_space<vmem>>)
    %add3A_152 = arith.constant 1000 : i32
    %add3A_153 = arith.addi %mul3A_2, %add3A_152 : i32
    %dma_start3A_154 = arith.constant 0 : i32
    %dma_start3A_155 = tpu.memref_slice %arg4[%add3A_153, %dma_start3A_154] : memref<32768x1024xf32, #tpu.memory_space<hbm>> -> memref<8x1024xf32, #tpu.memory_space<hbm>>
    %dma_start3A_156 = arith.constant 0 : i32
    %dma_start3A_157 = tpu.memref_slice %arg4[%add3A_153, %dma_start3A_156] : memref<32768x1024xf32, #tpu.memory_space<hbm>> -> memref<8x1024xf32, #tpu.memory_space<hbm>>
    tpu.enqueue_dma source(%arg11 : memref<8x1024xf32, #tpu.memory_space<vmem>>) target(%dma_start3A_157 : memref<8x1024xf32, #tpu.memory_space<hbm>>) target_semaphore(%arg27 : memref<!tpu.dma_semaphore, #tpu.memory_space<semaphore_mem>>)
    %add3A_158 = arith.constant 984 : i32
    %add3A_159 = arith.addi %mul3A_2, %add3A_158 : i32
    %dma_wait3A_160 = arith.constant 0 : i32
    %dma_wait3A_161 = tpu.memref_slice %arg4[%add3A_159, %dma_wait3A_160] : memref<32768x1024xf32, #tpu.memory_space<hbm>> -> memref<8x1024xf32, #tpu.memory_space<hbm>>
    %dma_wait3A_162 = arith.constant 0 : i32
    %dma_wait3A_163 = tpu.memref_slice %arg4[%add3A_159, %dma_wait3A_162] : memref<32768x1024xf32, #tpu.memory_space<hbm>> -> memref<8x1024xf32, #tpu.memory_space<hbm>>
    tpu.wait_dma2 semaphore(%arg25 : memref<!tpu.dma_semaphore, #tpu.memory_space<semaphore_mem>>) src(%arg9 : memref<8x1024xf32, #tpu.memory_space<vmem>>) dst(%dma_wait3A_163 : memref<8x1024xf32, #tpu.memory_space<hbm>>)
    %dma_wait3A_164 = arith.constant 126 : i32
    %dma_wait3A_165 = arith.constant 0 : i32
    %dma_wait3A_166 = tpu.memref_slice %arg5[%dma_wait3A_164, %dma_wait3A_165] : memref<128x8xi32, #tpu.memory_space<vmem>> -> memref<1x8xi32, #tpu.memory_space<vmem>>
    %dma_wait3A_167 = tpu.memref_squeeze %dma_wait3A_166 : memref<1x8xi32, #tpu.memory_space<vmem>> -> memref<8xi32, #tpu.memory_space<vmem>>
    %dma_wait3A_168 = arith.constant 0 : i32
    %dma_wait3A_169 = arith.constant 0 : i32
    %dma_wait3A_170 = tpu.memref_slice %arg2[%dma_wait3A_168, %dma_wait3A_169] : memref<8192x1024xf32, #tpu.memory_space<hbm>> -> memref<8192x1024xf32, #tpu.memory_space<hbm>>
    tpu.wait_indirect_dma semaphore(%arg20 : memref<!tpu.dma_semaphore, #tpu.memory_space<semaphore_mem>>) src(%dma_wait3A_170 : memref<8192x1024xf32, #tpu.memory_space<hbm>>) dst(%arg12 : memref<8x1024xf32, #tpu.memory_space<vmem>>)
    %add3A_171 = arith.constant 1008 : i32
    %add3A_172 = arith.addi %mul3A_2, %add3A_171 : i32
    %dma_start3A_173 = arith.constant 0 : i32
    %dma_start3A_174 = tpu.memref_slice %arg4[%add3A_172, %dma_start3A_173] : memref<32768x1024xf32, #tpu.memory_space<hbm>> -> memref<8x1024xf32, #tpu.memory_space<hbm>>
    %dma_start3A_175 = arith.constant 0 : i32
    %dma_start3A_176 = tpu.memref_slice %arg4[%add3A_172, %dma_start3A_175] : memref<32768x1024xf32, #tpu.memory_space<hbm>> -> memref<8x1024xf32, #tpu.memory_space<hbm>>
    tpu.enqueue_dma source(%arg12 : memref<8x1024xf32, #tpu.memory_space<vmem>>) target(%dma_start3A_176 : memref<8x1024xf32, #tpu.memory_space<hbm>>) target_semaphore(%arg28 : memref<!tpu.dma_semaphore, #tpu.memory_space<semaphore_mem>>)
    %add3A_177 = arith.constant 992 : i32
    %add3A_178 = arith.addi %mul3A_2, %add3A_177 : i32
    %dma_wait3A_179 = arith.constant 0 : i32
    %dma_wait3A_180 = tpu.memref_slice %arg4[%add3A_178, %dma_wait3A_179] : memref<32768x1024xf32, #tpu.memory_space<hbm>> -> memref<8x1024xf32, #tpu.memory_space<hbm>>
    %dma_wait3A_181 = arith.constant 0 : i32
    %dma_wait3A_182 = tpu.memref_slice %arg4[%add3A_178, %dma_wait3A_181] : memref<32768x1024xf32, #tpu.memory_space<hbm>> -> memref<8x1024xf32, #tpu.memory_space<hbm>>
    tpu.wait_dma2 semaphore(%arg26 : memref<!tpu.dma_semaphore, #tpu.memory_space<semaphore_mem>>) src(%arg10 : memref<8x1024xf32, #tpu.memory_space<vmem>>) dst(%dma_wait3A_182 : memref<8x1024xf32, #tpu.memory_space<hbm>>)
    %dma_wait3A_183 = arith.constant 127 : i32
    %dma_wait3A_184 = arith.constant 0 : i32
    %dma_wait3A_185 = tpu.memref_slice %arg5[%dma_wait3A_183, %dma_wait3A_184] : memref<128x8xi32, #tpu.memory_space<vmem>> -> memref<1x8xi32, #tpu.memory_space<vmem>>
    %dma_wait3A_186 = tpu.memref_squeeze %dma_wait3A_185 : memref<1x8xi32, #tpu.memory_space<vmem>> -> memref<8xi32, #tpu.memory_space<vmem>>
    %dma_wait3A_187 = arith.constant 0 : i32
    %dma_wait3A_188 = arith.constant 0 : i32
    %dma_wait3A_189 = tpu.memref_slice %arg2[%dma_wait3A_187, %dma_wait3A_188] : memref<8192x1024xf32, #tpu.memory_space<hbm>> -> memref<8192x1024xf32, #tpu.memory_space<hbm>>
    tpu.wait_indirect_dma semaphore(%arg21 : memref<!tpu.dma_semaphore, #tpu.memory_space<semaphore_mem>>) src(%dma_wait3A_189 : memref<8192x1024xf32, #tpu.memory_space<hbm>>) dst(%arg13 : memref<8x1024xf32, #tpu.memory_space<vmem>>)
    %add3A_190 = arith.constant 1016 : i32
    %add3A_191 = arith.addi %mul3A_2, %add3A_190 : i32
    %dma_start3A_192 = arith.constant 0 : i32
    %dma_start3A_193 = tpu.memref_slice %arg4[%add3A_191, %dma_start3A_192] : memref<32768x1024xf32, #tpu.memory_space<hbm>> -> memref<8x1024xf32, #tpu.memory_space<hbm>>
    %dma_start3A_194 = arith.constant 0 : i32
    %dma_start3A_195 = tpu.memref_slice %arg4[%add3A_191, %dma_start3A_194] : memref<32768x1024xf32, #tpu.memory_space<hbm>> -> memref<8x1024xf32, #tpu.memory_space<hbm>>
    tpu.enqueue_dma source(%arg13 : memref<8x1024xf32, #tpu.memory_space<vmem>>) target(%dma_start3A_195 : memref<8x1024xf32, #tpu.memory_space<hbm>>) target_semaphore(%arg29 : memref<!tpu.dma_semaphore, #tpu.memory_space<semaphore_mem>>)
    %add3A_196 = arith.constant 1000 : i32
    %add3A_197 = arith.addi %mul3A_2, %add3A_196 : i32
    %dma_wait3A_198 = arith.constant 0 : i32
    %dma_wait3A_199 = tpu.memref_slice %arg4[%add3A_197, %dma_wait3A_198] : memref<32768x1024xf32, #tpu.memory_space<hbm>> -> memref<8x1024xf32, #tpu.memory_space<hbm>>
    %dma_wait3A_200 = arith.constant 0 : i32
    %dma_wait3A_201 = tpu.memref_slice %arg4[%add3A_197, %dma_wait3A_200] : memref<32768x1024xf32, #tpu.memory_space<hbm>> -> memref<8x1024xf32, #tpu.memory_space<hbm>>
    tpu.wait_dma2 semaphore(%arg27 : memref<!tpu.dma_semaphore, #tpu.memory_space<semaphore_mem>>) src(%arg11 : memref<8x1024xf32, #tpu.memory_space<vmem>>) dst(%dma_wait3A_201 : memref<8x1024xf32, #tpu.memory_space<hbm>>)
    %add3A_202 = arith.constant 1008 : i32
    %add3A_203 = arith.addi %mul3A_2, %add3A_202 : i32
    %dma_wait3A_204 = arith.constant 0 : i32
    %dma_wait3A_205 = tpu.memref_slice %arg4[%add3A_203, %dma_wait3A_204] : memref<32768x1024xf32, #tpu.memory_space<hbm>> -> memref<8x1024xf32, #tpu.memory_space<hbm>>
    %dma_wait3A_206 = arith.constant 0 : i32
    %dma_wait3A_207 = tpu.memref_slice %arg4[%add3A_203, %dma_wait3A_206] : memref<32768x1024xf32, #tpu.memory_space<hbm>> -> memref<8x1024xf32, #tpu.memory_space<hbm>>
    tpu.wait_dma2 semaphore(%arg28 : memref<!tpu.dma_semaphore, #tpu.memory_space<semaphore_mem>>) src(%arg12 : memref<8x1024xf32, #tpu.memory_space<vmem>>) dst(%dma_wait3A_207 : memref<8x1024xf32, #tpu.memory_space<hbm>>)
    %add3A_208 = arith.constant 1016 : i32
    %add3A_209 = arith.addi %mul3A_2, %add3A_208 : i32
    %dma_wait3A_210 = arith.constant 0 : i32
    %dma_wait3A_211 = tpu.memref_slice %arg4[%add3A_209, %dma_wait3A_210] : memref<32768x1024xf32, #tpu.memory_space<hbm>> -> memref<8x1024xf32, #tpu.memory_space<hbm>>
    %dma_wait3A_212 = arith.constant 0 : i32
    %dma_wait3A_213 = tpu.memref_slice %arg4[%add3A_209, %dma_wait3A_212] : memref<32768x1024xf32, #tpu.memory_space<hbm>> -> memref<8x1024xf32, #tpu.memory_space<hbm>>
    tpu.wait_dma2 semaphore(%arg29 : memref<!tpu.dma_semaphore, #tpu.memory_space<semaphore_mem>>) src(%arg13 : memref<8x1024xf32, #tpu.memory_space<vmem>>) dst(%dma_wait3A_213 : memref<8x1024xf32, #tpu.memory_space<hbm>>)
    return
  }
}

</mosaic_0001>

<sc_bundles>
// kernel: _sc_gather.3.cloned.1.call-start
scs
__scs_entry_jumppad:
0x0: {  	(pc) =	sbr.rel $0x88, $3  }
0x1: {  	(tag) =	ssettag $0x0;
	lr =	simm.s32 $0x1  }
0x2: {  	[smem:$0x3F9F] =	sst lr;
	_ =	strace $0xD0000000  }
0x3: {  	_ = 	snop  }
0x4: {  	_ = 	snop  }
0x5: {  	_ = 	snop  }
0x6: {  	_ = 	snop  }
0x7: {  	_ = 	snop  }
__scs_overlays_trampoline_lowered:
0x8: {  	[smem:$0x3FAE] =	sst s0  }
0x9: {  	[smem:$0x3FAF] =	sst s1  }
0xa: {  	[smem:$0x3FB0] =	sst s2  }
0xb: {  	[smem:$0x3FB1] =	sst s3  }
0xc: {  	[smem:$0x3FB2] =	sst s4  }
0xd: {  	[smem:$0x3FB3] =	sst s5  }
0xe: {  	[smem:$0x3FB4] =	sst s6  }
0xf: {  	[smem:$0x3FB5] =	sst s7  }
0x10: {  	[smem:$0x3FB6] =	sst s8  }
0x11: {  	[smem:$0x3FB7] =	sst s9;
	s0 =	simm.s32 @!p0 $0x0  }
0x12: {  	s1 =	sld [smem:$0x3F9D];
	s0 =	simm.s32 @p0 $0x1  }
0x13: {  	[smem:$0x3FB8] =	sst s0;
	s0 =	simm.s32 @!p1 $0x0  }
0x14: {  	s2 =	sld [smem:$0x3F9C];
	s0 =	simm.s32 @p1 $0x1  }
0x15: {  	[smem:$0x3FB9] =	sst s0;
	s0 =	simm.s32 @!p2 $0x0  }
0x16: {  	s3 =	sld [smem:$0x3FDB];
	s0 =	simm.s32 @p2 $0x1  }
0x17: {  	s4 =	simm.s32 $0x1BF5;
	[smem:$0x3FBB] =	sst s0  }
0x18: {  	s0 =	sld [smem:$0x3F9E];
	_ =	swait.ge [sflag:s4], $0x0  }
0x19: {  	s7 =	sld [smem:$0x3F9F]  }
0x1a: {  	s8 =	sadd.s32 $0xFFFFE003, lr  }
0x1b: {  	s9 =	sadd.s32 $0xFFFFFEF7, lr;
	s5 =	simm.s32 $0xFFFFFFFF;
	p2 =	slt.u32 s8, $0xFFFFF086  }
0x1c: {  	p1 =	slt.u32 s9, $0xF7A;
	s5 =	simm.s32 @!p2 $0x0  }
0x1d: {  	s5 =	simm.s32 @p1 $0x1;
	p0 =	seq.s32 s7, s2  }
0x1e: {  	s7 =	smul.u32 @!p0 $0xF7A, s2;
	p2 =	seq.s32 @!p0 s5, $0x0  }
0x1f: {  	s9 =	smul.u32 $0xF7A, s1;
	s8 =	simm.s32 @!p0 $0x1BF5;
	p2 =	por !p2, p0  }
0x20: {  	[sflag:s8] =	ssyncset.s32 @!p0 $0xFFFFF086;
	s6 =	sadd.s32 @!p0 s3, s7;
	s7 =	simm.s32 @!p0 $0x108  }
0x21: {  	s3 =	sadd.s32 s3, s9;
	s6 =	sadd.s32 @!p0 $0x88, s6;
	s7 =	simm.s32 @p2 $0x1082  }
0x22: {  	[simem:s7], [sflag:s8] =	dma.local @!p0 [hbm:s6], $0xF7A  }
0x23: {  	s9 =	sor.u32 $0xD0000000, s2;
	s6 =	simm.s32 $0x108;
	_ =	swait.ge @!p0 [sflag:s8], $0x0  }
0x24: {  	s3 =	sadd.s32 $0x88, s3;
	s6 =	simm.s32 @!p1 $0x1082;
	[sflag:s4] =	ssyncset.s32 $0xFFFFF086  }
0x25: {  	[simem:s6], [sflag:s4] =	dma.local [hbm:s3], $0xF7A  }
0x26: {  	[smem:$0x3F9F] =	sst s1;
	(tag) =	ssettag s2;
	_ =	strace s9  }
0x27: {  	s1 =	sld [smem:$0x3FAF]  }
0x28: {  	s2 =	sld [smem:$0x3FB0]  }
0x29: {  	s4 =	sld [smem:$0x3FB2]  }
0x2a: {  	p0 =	seq.s32 s5, $0x0;
	s5 =	sld [smem:$0x3FB3]  }
0x2b: {  	s6 =	sld [smem:$0x3FB4]  }
0x2c: {  	s7 =	sld [smem:$0x3FB5]  }
0x2d: {  	s3 =	simm.s32 $0x108;
	s8 =	sld [smem:$0x3FB6]  }
0x2e: {  	s3 =	simm.s32 @!p0 $0x1082;
	s9 =	sld [smem:$0x3FB7]  }
0x2f: {  	lr =	sadd.s32 s0, s3;
	s0 =	sld [smem:$0x3FAE]  }
0x30: {  	s3 =	sld [smem:$0x3FB1]  }
0x31: {  	[smem:$0x3FBA] =	sst s10  }
0x32: {  	s10 =	sld [smem:$0x3FB8];
	_ =	sdelay $0x3  }
0x33: {  	p0 =	seq.s32 s10, $0x1;
	s10 =	sld [smem:$0x3FBA];
	_ =	sdelay $0x3  }
0x34: {  	[smem:$0x3FBA] =	sst s10  }
0x35: {  	s10 =	sld [smem:$0x3FB9];
	_ =	sdelay $0x3  }
0x36: {  	p1 =	seq.s32 s10, $0x1;
	s10 =	sld [smem:$0x3FBA];
	_ =	sdelay $0x3  }
0x37: {  	[smem:$0x3FBA] =	sst s10  }
0x38: {  	s10 =	sld [smem:$0x3FBB]  }
0x39: {  	_ = 	snop;
	(pc) =	sbr.ind lr, $3  }
0x3a: {  	_ = 	snop  }
0x3b: {  	_ = 	snop  }
0x3c: {  	p2 =	seq.s32 s10, $0x1;
	s10 =	sld [smem:$0x3FBA]  }
0x3d: {  	_ =	shalt  }
0x3e: {  	_ =	shalt  }
0x3f: {  	_ =	shalt  }
0x40: {  	_ =	shalt  }
0x41: {  	_ =	shalt  }
0x42: {  	_ =	shalt  }
0x43: {  	_ =	shalt  }
0x44: {  	_ =	shalt  }
0x45: {  	_ =	shalt  }
0x46: {  	_ =	shalt  }
0x47: {  	_ =	shalt  }
0x48: {  	_ =	shalt  }
0x49: {  	_ =	shalt  }
0x4a: {  	_ =	shalt  }
0x4b: {  	_ =	shalt  }
0x4c: {  	_ =	shalt  }
0x4d: {  	_ =	shalt  }
0x4e: {  	_ =	shalt  }
0x4f: {  	_ =	shalt  }
0x50: {  	_ =	shalt  }
0x51: {  	_ =	shalt  }
0x52: {  	_ =	shalt  }
0x53: {  	_ =	shalt  }
0x54: {  	_ =	shalt  }
0x55: {  	_ =	shalt  }
0x56: {  	_ =	shalt  }
0x57: {  	_ =	shalt  }
0x58: {  	_ =	shalt  }
0x59: {  	_ =	shalt  }
0x5a: {  	_ =	shalt  }
0x5b: {  	_ =	shalt  }
0x5c: {  	_ =	shalt  }
0x5d: {  	_ =	shalt  }
0x5e: {  	_ =	shalt  }
0x5f: {  	_ =	shalt  }
0x60: {  	_ =	shalt  }
0x61: {  	_ =	shalt  }
0x62: {  	_ =	shalt  }
0x63: {  	_ =	shalt  }
0x64: {  	_ =	shalt  }
0x65: {  	_ =	shalt  }
0x66: {  	_ =	shalt  }
0x67: {  	_ =	shalt  }
0x68: {  	_ =	shalt  }
0x69: {  	_ =	shalt  }
0x6a: {  	_ =	shalt  }
0x6b: {  	_ =	shalt  }
0x6c: {  	_ =	shalt  }
0x6d: {  	_ =	shalt  }
0x6e: {  	_ =	shalt  }
0x6f: {  	_ =	shalt  }
0x70: {  	_ =	shalt  }
0x71: {  	_ =	shalt  }
0x72: {  	_ =	shalt  }
0x73: {  	_ =	shalt  }
0x74: {  	_ =	shalt  }
0x75: {  	_ =	shalt  }
0x76: {  	_ =	shalt  }
0x77: {  	_ =	shalt  }
0x78: {  	_ =	shalt  }
0x79: {  	_ =	shalt  }
0x7a: {  	_ =	shalt  }
0x7b: {  	_ =	shalt  }
0x7c: {  	_ =	shalt  }
0x7d: {  	_ =	shalt  }
0x7e: {  	_ =	shalt  }
0x7f: {  	_ =	shalt  }
0x80: {  	_ =	shalt  }
0x81: {  	_ =	shalt  }
0x82: {  	_ =	shalt  }
0x83: {  	_ =	shalt  }
0x84: {  	_ =	shalt  }
0x85: {  	_ =	shalt  }
0x86: {  	_ =	shalt  }
0x87: {  	_ =	shalt  }
.Lfunc_end0:
.L_simem_size_0:
called_computation_lowered:
.L_overlay_start_0:
0x88: {  	s2 =	sld [smem:$0x3FD9]  }
0x89: {  	s3 =	sld [smem:$0x3FFE];
	_ =	sdelay $0x1  }
0x8a: {  	s1 =	srdreg.scid  }
0x8b: {  	s0 =	sand.u32 $0x1, s1  }
0x8c: {  	s17 =	sshll.u32 s0, $0xA;
	s2 =	sadd.s32 s3, s2  }
0x8d: {  	s2 =	sadd.s32 s2, s17  }
0x8e: {  	[smem:$0x3FC6] =	sst s2  }
0x8f: {  	_ = 	snop  }
0x90: {  	s2 =	sld [smem:$0x3FC9]  }
0x91: {  	s18 =	sld [smem:$0x3FD0];
	(tm) =	ssettm $0x1  }
0x92: {  	s4 =	sld [smem:$0x3FFB];
	_ =	sdelay $0x3  }
0x93: {  	_ =	strace s4  }
0x94: {  	s4 =	sld [smem:$0x3FFC];
	_ =	sdelay $0x3  }
0x95: {  	_ =	strace s4  }
0x96: {  	s4 =	sld [smem:$0x3FFD];
	_ =	sdelay $0x3  }
0x97: {  	_ =	strace s4  }
0x98: {  	_ =	strace $0x8FFFFFFF  }
0x99: {  	s19 =	sld [smem:$0x3FDB];
	_ =	sdelay $0x1  }
0x9a: {  	s5 =	simm.s32 $_scs_section_size  }
0x9b: {  	s6 =	simm.s32 $_size__tile_overlayer_lowered;
	s7 =	simm.s32 $_tile_overlayer_lowered  }
0x9c: {  	s22 =	simm.s32 $0x1BFF;
	s21 =	sshll.u32 s7, $0x1;
	s4 =	sadd.s32 s5, s19  }
0x9d: {  	s8 =	simm.s32 $0x0;
	s20 =	sshll.u32 s6, $0x1;
	s6 =	sadd.s32 s21, s4  }
0x9e: {  	[timem:s8], [sflag:s22] =	dma.local [hbm:s6], s20  }
0x9f: {  	_ =	swait.ge [sflag:s22], s20  }
0xa0: {  	s5 =	ssub.s32 $0x0, s20;
	[sflag:s22] =	ssyncset.done $0x0  }
0xa1: {  	[sflag:s22] =	ssyncadd.s32 s5;
	_ =	sdelay $0x1  }
0xa2: {  	s23 =	simm.s32 $0x1B8B  }
0xa3: {  	_ =	swait.ge [sflag:s23], $0x1  }
0xa4: {  	[sflag:s23] =	ssyncset.done $0x0  }
0xa5: {  	s25 =	simm.s32 $0x1B8E;
	s24 =	sld [smem:$0x3FFE];
	[sflag:s23] =	ssyncadd.s32 $0xFFFFFFFF  }
0xa6: {  	s26 =	simm.s32 $execute0_lowered;
	[smem:$0x3FD2] =	sst s25  }
0xa7: {  	s6 =	sshll.u32 s26, $0x1;
	_ =	strace $0x80000046;
	[dreg:$0x1] =	wrdreg $0xFFFFFFFF  }
0xa8: {  	s28 =	simm.s32 $_size_execute0_lowered;
	s4 =	sadd.s32 s4, s6;
	[dreg:$0x0] =	wrdreg $0x0  }
0xa9: {  	s6 =	sshll.u32 s28, $0x1;
	[dreg:$0x2] =	wrdreg s4  }
0xaa: {  	[dreg:$0x3] =	wrdreg s6  }
0xab: {  	[dreg:$0x4] =	wrdreg $0xC0  }
0xac: {  	_ =	task [dreg:s8], $0x5FFFF  }
0xad: {  	[dreg:$0x1] =	wrdreg $0xFFFFFFFF  }
0xae: {  	[dreg:$0x0] =	wrdreg $0x60  }
0xaf: {  	[dreg:$0x2] =	wrdreg s2  }
0xb0: {  	[dreg:$0x3] =	wrdreg s24  }
0xb1: {  	[dreg:$0x4] =	wrdreg s18  }
0xb2: {  	[dreg:$0x5] =	wrdreg $0x9  }
0xb3: {  	_ =	task.clear_ibuf [dreg:s8], $0x6FFFF;
	_ =	strace $0x90000046  }
0xb4: {  	s29 =	simm.s32 $0x9;
	_ =	strace $0x80000048  }
0xb5: {  	_ =	swait.ge [sflag:s29], $0x1  }
0xb6: {  	[sflag:s29] =	ssyncadd.s32 $0xFFFFFFFF  }
0xb7: {  	_ =	strace $0x90000048  }
0xb8: {  	_ =	sfence  }
0xb9: {  	s30 =	sld [smem:$0x0];
	_ =	sdelay $0x2  }
0xba: {  	s31 =	sshll.u32 s1, $0xD;
	s1 =	sshrl.u32 s1, $0x2  }
0xbb: {  	s3 =	sand.u32 $0x4000, s31;
	s1 =	sadd.s32 s1, s30  }
0xbc: {  	s0 =	sor.u32 s3, s0;
	s1 =	sshll.u32 s1, $0x11  }
0xbd: {  	s0 =	sor.u32 s1, s0  }
0xbe: {  	s0 =	sadd.s32 $0x8F2B, s0  }
0xbf: {  	[sflag:s0] =	ssyncadd.remote.s32 $0x1  }
0xc0: {  	_ =	sfence.sel $0xFFFF  }
0xc1: {  	[dreg:$0x0] =	wrdreg $0xFFFFFFFF;
	(pc) =	sbr.abs _section_cstart, $3  }
0xc2: {  	[dreg:$0x1] =	wrdreg $0xFFFFFFFF  }
0xc3: {  	_ =	task.clear_ibuf [dreg:s8], $0x2FFFF;
	_ =	strace $0x9FFFFFFF  }
0xc4: {  	(tm) =	ssettm $0x7FFFFFFF  }
0xc5: {  	_ =	shalt  }
tec
execute0_lowered:
.L_overlay_start_1:
0x0: {  	(tag) =	ssettag $0x1  }
0x1: {  	s2 =	rddreg [dreg:$0x0]  }
0x2: {  	s0 =	rddreg [dreg:$0x1]  }
0x3: {  	s1 =	rddreg [dreg:$0x2];
	s3 =	srdreg.scid  }
0x4: {  	s9 =	stileid.u32;
	s28 =	simm.s32 $0x5800;
	s15 =	simm.s32 $0x6000  }
0x5: {  	s29 =	simm.s32 $0x6800;
	s13 =	simm.s32 $0x7000;
	s31 =	simm.s32 $0x8000  }
0x6: {  	s30 =	simm.s32 $0xE800;
	s11 =	simm.s32 $0x12800;
	s12 =	simm.s32 $0x13800  }
0x7: {  	s14 =	simm.s32 $0x0;
	s4 =	sand.u32 $0x1, s3;
	s5 =	sshll.u32 s9, $0x1  }
0x8: {  	s3 =	simm.s32 $0x0;
	s22 =	sshll.u32 s9, $0x12;
	s9 =	simm.s32 $0xA000  }
0x9: {  	s6 =	sor.u32 s4, s5;
	s16 =	ssub.s32 $0x2, s4;
	[smem:$0x7FF] =	sst s3  }
0xa: {  	s5 =	sadd.s32 $0x100, s2;
	s7 =	sshll.u32 s6, $0xB;
	s17 =	sshll.u32 s6, $0x11  }
0xb: {  	s24 =	sshll.u32 s4, $0x11;
	s0 =	sadd.s32 s7, s0;
	s10 =	sadd.s32 s1, s17  }
0xc: {  	_ =	strace $0x80000047;
	s0 =	sadd.s32 $0x400, s0;
	[dreg:$0x6] =	wrdreg s10  }
0xd: {  	s4 =	simm.s32 $0x11800;
	s18 =	sadd.s32 $0x1E800, s10;
	[dreg:$0x5] =	wrdreg s0  }
0xe: {  	s8 =	sshrl.u32 s16, $0x1;
	s19 =	sadd.s32 $0x1EC00, s10;
	[dreg:$0x8] =	wrdreg s18  }
0xf: {  	s6 =	sadd.s32 $0x200, s2;
	s20 =	sadd.s32 $0x1F000, s10;
	[dreg:$0x9] =	wrdreg s19  }
0x10: {  	s8 =	ssub.s32 s16, s8;
	s21 =	sadd.s32 $0x1F400, s10;
	[dreg:$0xa] =	wrdreg s20  }
0x11: {  	s7 =	sadd.s32 $0x300, s2;
	s23 =	sadd.s32 $0x1F800, s10;
	[dreg:$0xb] =	wrdreg s21  }
0x12: {  	s16 =	simm.s32 $0x4000;
	s25 =	sadd.s32 $0x1FC00, s10;
	[dreg:$0xc] =	wrdreg s23  }
0x13: {  	s17 =	simm.s32 $0xA800;
	s26 =	smax.u32 s8, $0x1;
	[dreg:$0xd] =	wrdreg s25  }
0x14: {  	s8 =	simm.s32 $0xC800;
	s0 =	sadd.s32 $0x400, s10;
	[dreg:$0xe] =	wrdreg s26  }
0x15: {  	s26 =	simm.s32 $0x4800;
	s23 =	simm.s32 $0xE000;
	s19 =	simm.s32 $0xF800  }
0x16: {  	s10 =	simm.s32 $0x12000;
	s20 =	simm.s32 $0xB;
	s21 =	simm.s32 $0x6  }
0x17: {  	v0 =	vlaneseq.u32;
	s25 =	simm.s32 $0xC;
	[dreg:$0x7] =	wrdreg s0;
	s0 =	sadd.s32 s22, s1  }
0x18: {  	v1 =	vshrl.u32 v0, $0x3;
	s22 =	simm.s32 $0x10000;
	s1 =	simm.s32 $0x10800;
	s0 =	sadd.s32 s24, s0  }
0x19: {  	vm0 =	vmmov $0xffff;
	v0 =	vand.u32 $0x7, v0;
	v1 =	vmul.u32 $0x8, v1;
	s24 =	simm.s32 $0xC000;
	[dreg:$0x4] =	wrdreg s0;
	s0 =	simm.s32 $0x5000  }
.LBB2_1:
0x1a: {  	[dreg:$0xf] =	wrdreg s14  }
0x1b: {  	s18 =	rddreg [dreg:$0x5];
	s14 =	simm.s32 $0x11  }
0x1c: {  	[tilespmem:s3], [sflag:$0x11] =	stream.linear.gather [hbm4b:s18+s3], $0x4000, $0x38;
	[tilespmem:$0x14000] =	vst v63  }
0x1d: {  	_ =	swait.ge [sflag:s14], $0x4000  }
0x1e: {  	[sflag:s14] =	ssyncset.done $0x0  }
0x1f: {  	[sflag:s14] =	ssyncadd.s32 $0xFFFFC000  }
0x20: {  	v2 =	vld.msk [tilespmem:$0x0], $0xff;
	_ =	sdelay $0x4  }
0x21: {  	v3 =	vshll.u32 v2, $0x3  }
0x22: {  	v2 =	vand.u32 $0x7, v2;
	v3 =	vand.u32 $0xFFFFFFC0, v3  }
0x23: {  	v2 =	vor.u32 v2, v3  }
0x24: {  	v2 =	vperm.xlane v2, v0;
	_ =	sdelay $0x1  }
0x25: {  	v2 =	vadd.s32 v1, v2;
	_ =	sdelay $0x4  }
0x26: {  	[tilespmem:s16], [sflag:$0x1] =	stream.indirect_vreg.gather [hbm4b:s2+s3], $0x80, v2, vm0, $0xb8;
	[tilespmem:$0x14000] =	vst v63  }
0x27: {  	_ = 	snop  }
0x28: {  	[tilespmem:s26], [sflag:$0x1] =	stream.indirect_vreg.gather [hbm4b:s5+s3], $0x80, v2, vm0, $0xb8;
	[tilespmem:$0x14000] =	vst v63  }
0x29: {  	_ = 	snop  }
0x2a: {  	[tilespmem:s0], [sflag:$0x1] =	stream.indirect_vreg.gather [hbm4b:s6+s3], $0x80, v2, vm0, $0xb8;
	[tilespmem:$0x14000] =	vst v63  }
0x2b: {  	_ = 	snop  }
0x2c: {  	[tilespmem:s28], [sflag:$0x1] =	stream.indirect_vreg.gather [hbm4b:s7+s3], $0x80, v2, vm0, $0xb8;
	[tilespmem:$0x14000] =	vst v63  }
0x2d: {  	v2 =	vld.msk [tilespmem:$0x80], $0xff;
	_ =	sdelay $0x4  }
0x2e: {  	v3 =	vshll.u32 v2, $0x3  }
0x2f: {  	v2 =	vand.u32 $0x7, v2;
	v3 =	vand.u32 $0xFFFFFFC0, v3  }
0x30: {  	v2 =	vor.u32 v2, v3  }
0x31: {  	v2 =	vperm.xlane v2, v0;
	_ =	sdelay $0x1  }
0x32: {  	v2 =	vadd.s32 v1, v2;
	_ =	sdelay $0x4  }
0x33: {  	[tilespmem:s15], [sflag:$0x2] =	stream.indirect_vreg.gather [hbm4b:s2+s3], $0x80, v2, vm0, $0xb8;
	[tilespmem:$0x14000] =	vst v63  }
0x34: {  	_ = 	snop  }
0x35: {  	[tilespmem:s29], [sflag:$0x2] =	stream.indirect_vreg.gather [hbm4b:s5+s3], $0x80, v2, vm0, $0xb8;
	[tilespmem:$0x14000] =	vst v63  }
0x36: {  	_ = 	snop  }
0x37: {  	[tilespmem:s13], [sflag:$0x2] =	stream.indirect_vreg.gather [hbm4b:s6+s3], $0x80, v2, vm0, $0xb8;
	[tilespmem:$0x14000] =	vst v63  }
0x38: {  	s14 =	simm.s32 $0x7800  }
0x39: {  	[tilespmem:s14], [sflag:$0x2] =	stream.indirect_vreg.gather [hbm4b:s7+s3], $0x80, v2, vm0, $0xb8;
	[tilespmem:$0x14000] =	vst v63  }
0x3a: {  	v2 =	vld.msk [tilespmem:$0x100], $0xff;
	_ =	sdelay $0x4  }
0x3b: {  	v3 =	vshll.u32 v2, $0x3  }
0x3c: {  	v2 =	vand.u32 $0x7, v2;
	v3 =	vand.u32 $0xFFFFFFC0, v3  }
0x3d: {  	v2 =	vor.u32 v2, v3  }
0x3e: {  	v2 =	vperm.xlane v2, v0;
	_ =	sdelay $0x1  }
0x3f: {  	v2 =	vadd.s32 v1, v2;
	_ =	sdelay $0x4  }
0x40: {  	[tilespmem:s31], [sflag:$0x3] =	stream.indirect_vreg.gather [hbm4b:s2+s3], $0x80, v2, vm0, $0xb8;
	[tilespmem:$0x14000] =	vst v63  }
0x41: {  	s18 =	simm.s32 $0x8800  }
0x42: {  	[tilespmem:s18], [sflag:$0x3] =	stream.indirect_vreg.gather [hbm4b:s5+s3], $0x80, v2, vm0, $0xb8;
	[tilespmem:$0x14000] =	vst v63  }
0x43: {  	s26 =	simm.s32 $0x9000  }
0x44: {  	[tilespmem:s26], [sflag:$0x3] =	stream.indirect_vreg.gather [hbm4b:s6+s3], $0x80, v2, vm0, $0xb8;
	[tilespmem:$0x14000] =	vst v63  }
0x45: {  	s31 =	simm.s32 $0x9800  }
0x46: {  	[tilespmem:s31], [sflag:$0x3] =	stream.indirect_vreg.gather [hbm4b:s7+s3], $0x80, v2, vm0, $0xb8;
	[tilespmem:$0x14000] =	vst v63  }
0x47: {  	v2 =	vld.msk [tilespmem:$0x180], $0xff;
	_ =	sdelay $0x4  }
0x48: {  	v3 =	vshll.u32 v2, $0x3  }
0x49: {  	v2 =	vand.u32 $0x7, v2;
	v3 =	vand.u32 $0xFFFFFFC0, v3  }
0x4a: {  	v2 =	vor.u32 v2, v3  }
0x4b: {  	v2 =	vperm.xlane v2, v0;
	_ =	sdelay $0x1  }
0x4c: {  	v2 =	vadd.s32 v1, v2;
	_ =	sdelay $0x4  }
0x4d: {  	[tilespmem:s9], [sflag:$0x4] =	stream.indirect_vreg.gather [hbm4b:s2+s3], $0x80, v2, vm0, $0xb8;
	[tilespmem:$0x14000] =	vst v63  }
0x4e: {  	_ = 	snop  }
0x4f: {  	[tilespmem:s17], [sflag:$0x4] =	stream.indirect_vreg.gather [hbm4b:s5+s3], $0x80, v2, vm0, $0xb8;
	[tilespmem:$0x14000] =	vst v63  }
0x50: {  	s9 =	simm.s32 $0xB000  }
0x51: {  	[tilespmem:s9], [sflag:$0x4] =	stream.indirect_vreg.gather [hbm4b:s6+s3], $0x80, v2, vm0, $0xb8;
	[tilespmem:$0x14000] =	vst v63  }
0x52: {  	s13 =	simm.s32 $0xB800  }
0x53: {  	[tilespmem:s13], [sflag:$0x4] =	stream.indirect_vreg.gather [hbm4b:s7+s3], $0x80, v2, vm0, $0xb8;
	[tilespmem:$0x14000] =	vst v63  }
0x54: {  	v2 =	vld.msk [tilespmem:$0x200], $0xff;
	_ =	sdelay $0x4  }
0x55: {  	v3 =	vshll.u32 v2, $0x3  }
0x56: {  	v2 =	vand.u32 $0x7, v2;
	v3 =	vand.u32 $0xFFFFFFC0, v3  }
0x57: {  	v2 =	vor.u32 v2, v3  }
0x58: {  	v2 =	vperm.xlane v2, v0;
	_ =	sdelay $0x1  }
0x59: {  	v2 =	vadd.s32 v1, v2;
	_ =	sdelay $0x4  }
0x5a: {  	[tilespmem:s24], [sflag:$0x5] =	stream.indirect_vreg.gather [hbm4b:s2+s3], $0x80, v2, vm0, $0xb8;
	[tilespmem:$0x14000] =	vst v63  }
0x5b: {  	_ = 	snop  }
0x5c: {  	[tilespmem:s8], [sflag:$0x5] =	stream.indirect_vreg.gather [hbm4b:s5+s3], $0x80, v2, vm0, $0xb8;
	[tilespmem:$0x14000] =	vst v63  }
0x5d: {  	s14 =	simm.s32 $0xD000  }
0x5e: {  	[tilespmem:s14], [sflag:$0x5] =	stream.indirect_vreg.gather [hbm4b:s6+s3], $0x80, v2, vm0, $0xb8;
	[tilespmem:$0x14000] =	vst v63  }
0x5f: {  	s17 =	simm.s32 $0xD800  }
0x60: {  	[tilespmem:s17], [sflag:$0x5] =	stream.indirect_vreg.gather [hbm4b:s7+s3], $0x80, v2, vm0, $0xb8;
	[tilespmem:$0x14000] =	vst v63  }
0x61: {  	v2 =	vld.msk [tilespmem:$0x280], $0xff;
	_ =	sdelay $0x4  }
0x62: {  	v3 =	vshll.u32 v2, $0x3  }
0x63: {  	v2 =	vand.u32 $0x7, v2;
	v3 =	vand.u32 $0xFFFFFFC0, v3  }
0x64: {  	v2 =	vor.u32 v2, v3  }
0x65: {  	v2 =	vperm.xlane v2, v0;
	_ =	sdelay $0x1  }
0x66: {  	v2 =	vadd.s32 v1, v2;
	_ =	sdelay $0x4  }
0x67: {  	[tilespmem:s23], [sflag:$0x6] =	stream.indirect_vreg.gather [hbm4b:s2+s3], $0x80, v2, vm0, $0xb8;
	[tilespmem:$0x14000] =	vst v63  }
0x68: {  	_ = 	snop  }
0x69: {  	[tilespmem:s30], [sflag:$0x6] =	stream.indirect_vreg.gather [hbm4b:s5+s3], $0x80, v2, vm0, $0xb8;
	[tilespmem:$0x14000] =	vst v63  }
0x6a: {  	s18 =	simm.s32 $0xF000  }
0x6b: {  	[tilespmem:s18], [sflag:$0x6] =	stream.indirect_vreg.gather [hbm4b:s6+s3], $0x80, v2, vm0, $0xb8;
	[tilespmem:$0x14000] =	vst v63  }
0x6c: {  	s23 =	simm.s32 $0x1  }
0x6d: {  	[tilespmem:s19], [sflag:$0x6] =	stream.indirect_vreg.gather [hbm4b:s7+s3], $0x80, v2, vm0, $0xb8;
	[tilespmem:$0x14000] =	vst v63  }
0x6e: {  	_ =	swait.ge [sflag:s23], $0x2000  }
0x6f: {  	[sflag:s23] =	ssyncset.done $0x0  }
0x70: {  	s24 =	rddreg [dreg:$0x6];
	[sflag:s23] =	ssyncadd.s32 $0xFFFFE000  }
0x71: {  	[hbm4b:s24+s3] =	stream.linear.scatter [tilespmem:s16], [sflag:$0x9], $0x2000, $0x38;
	[tilespmem:$0x14000] =	vst v63  }
0x72: {  	v2 =	vld.msk [tilespmem:$0x300], $0xff;
	_ =	sdelay $0x4  }
0x73: {  	v3 =	vshll.u32 v2, $0x3  }
0x74: {  	v2 =	vand.u32 $0x7, v2;
	v3 =	vand.u32 $0xFFFFFFC0, v3  }
0x75: {  	v2 =	vor.u32 v2, v3  }
0x76: {  	v2 =	vperm.xlane v2, v0;
	_ =	sdelay $0x1  }
0x77: {  	v2 =	vadd.s32 v1, v2;
	_ =	sdelay $0x4  }
0x78: {  	[tilespmem:s22], [sflag:$0x7] =	stream.indirect_vreg.gather [hbm4b:s2+s3], $0x80, v2, vm0, $0xb8;
	[tilespmem:$0x14000] =	vst v63  }
0x79: {  	_ = 	snop  }
0x7a: {  	[tilespmem:s1], [sflag:$0x7] =	stream.indirect_vreg.gather [hbm4b:s5+s3], $0x80, v2, vm0, $0xb8;
	[tilespmem:$0x14000] =	vst v63  }
0x7b: {  	s26 =	simm.s32 $0x11000  }
0x7c: {  	[tilespmem:s26], [sflag:$0x7] =	stream.indirect_vreg.gather [hbm4b:s6+s3], $0x80, v2, vm0, $0xb8;
	[tilespmem:$0x14000] =	vst v63  }
0x7d: {  	_ = 	snop  }
0x7e: {  	[tilespmem:s4], [sflag:$0x7] =	stream.indirect_vreg.gather [hbm4b:s7+s3], $0x80, v2, vm0, $0xb8;
	[tilespmem:$0x14000] =	vst v63  }
0x7f: {  	s4 =	simm.s32 $0x2  }
0x80: {  	_ =	swait.ge [sflag:s4], $0x2000  }
0x81: {  	[sflag:s4] =	ssyncset.done $0x0  }
0x82: {  	s30 =	rddreg [dreg:$0x7];
	[sflag:s4] =	ssyncadd.s32 $0xFFFFE000  }
0x83: {  	[hbm4b:s30+s3] =	stream.linear.scatter [tilespmem:s15], [sflag:$0xA], $0x2000, $0x38;
	[tilespmem:$0x14000] =	vst v63  }
0x84: {  	v2 =	vld.msk [tilespmem:$0x380], $0xff;
	_ =	sdelay $0x4  }
0x85: {  	v3 =	vshll.u32 v2, $0x3  }
0x86: {  	v2 =	vand.u32 $0x7, v2;
	v3 =	vand.u32 $0xFFFFFFC0, v3  }
0x87: {  	v2 =	vor.u32 v2, v3  }
0x88: {  	v2 =	vperm.xlane v2, v0;
	_ =	sdelay $0x1  }
0x89: {  	v2 =	vadd.s32 v1, v2;
	_ =	sdelay $0x4  }
0x8a: {  	[tilespmem:s10], [sflag:$0x8] =	stream.indirect_vreg.gather [hbm4b:s2+s3], $0x80, v2, vm0, $0xb8;
	[tilespmem:$0x14000] =	vst v63  }
0x8b: {  	_ = 	snop  }
0x8c: {  	[tilespmem:s11], [sflag:$0x8] =	stream.indirect_vreg.gather [hbm4b:s5+s3], $0x80, v2, vm0, $0xb8;
	[tilespmem:$0x14000] =	vst v63  }
0x8d: {  	s28 =	simm.s32 $0x780;
	s29 =	simm.s32 $0x0;
	s31 =	simm.s32 $0x13000  }
0x8e: {  	[tilespmem:s31], [sflag:$0x8] =	stream.indirect_vreg.gather [hbm4b:s6+s3], $0x80, v2, vm0, $0xb8;
	[tilespmem:$0x14000] =	vst v63  }
0x8f: {  	s14 =	simm.s32 $0x9;
	s19 =	simm.s32 $0x5;
	s16 =	simm.s32 $0xA  }
0x90: {  	[tilespmem:s12], [sflag:$0x8] =	stream.indirect_vreg.gather [hbm4b:s7+s3], $0x80, v2, vm0, $0xb8;
	[tilespmem:$0x14000] =	vst v63  }
0x91: {  	s26 =	simm.s32 $0x7;
	s15 =	simm.s32 $0x4;
	s12 =	simm.s32 $0x3  }
.LBB2_2:
0x92: {  	_ =	swait.ge [sflag:s12], $0x2000  }
0x93: {  	s18 =	rddreg [dreg:$0x4]  }
0x94: {  	[sflag:s12] =	ssyncset.done $0x0;
	s18 =	sadd.s32 s29, s18  }
0x95: {  	s9 =	simm.s32 $0x8000;
	[sflag:s12] =	ssyncadd.s32 $0xFFFFE000;
	s22 =	sadd.s32 $0x800, s18  }
0x96: {  	[hbm4b:s22+s3] =	stream.linear.scatter [tilespmem:s9], [sflag:$0xB], $0x2000, $0x38;
	[tilespmem:$0x14000] =	vst v63  }
0x97: {  	_ =	swait.ge [sflag:s14], $0x2000  }
0x98: {  	[sflag:s14] =	ssyncset.done $0x0  }
0x99: {  	[sflag:s14] =	ssyncadd.s32 $0xFFFFE000  }
0x9a: {  	v2 =	vld.msk [tilespmem:s28+$0xFFFFFC80], $0xff;
	_ =	sdelay $0x4  }
0x9b: {  	v3 =	vshll.u32 v2, $0x3  }
0x9c: {  	v2 =	vand.u32 $0x7, v2;
	v3 =	vand.u32 $0xFFFFFFC0, v3  }
0x9d: {  	v2 =	vor.u32 v2, v3  }
0x9e: {  	v2 =	vperm.xlane v2, v0;
	_ =	sdelay $0x1  }
0x9f: {  	v2 =	vadd.s32 v1, v2;
	_ =	sdelay $0x3  }
0xa0: {  	s0 =	simm.s32 $0x4000  }
0xa1: {  	[tilespmem:s0], [sflag:$0x1] =	stream.indirect_vreg.gather [hbm4b:s2+s3], $0x80, v2, vm0, $0xb8;
	[tilespmem:$0x14000] =	vst v63  }
0xa2: {  	s1 =	simm.s32 $0x4800  }
0xa3: {  	[tilespmem:s1], [sflag:$0x1] =	stream.indirect_vreg.gather [hbm4b:s5+s3], $0x80, v2, vm0, $0xb8;
	[tilespmem:$0x14000] =	vst v63  }
0xa4: {  	s23 =	simm.s32 $0x5000  }
0xa5: {  	[tilespmem:s23], [sflag:$0x1] =	stream.indirect_vreg.gather [hbm4b:s6+s3], $0x80, v2, vm0, $0xb8;
	[tilespmem:$0x14000] =	vst v63  }
0xa6: {  	s24 =	simm.s32 $0x5800  }
0xa7: {  	[tilespmem:s24], [sflag:$0x1] =	stream.indirect_vreg.gather [hbm4b:s7+s3], $0x80, v2, vm0, $0xb8;
	[tilespmem:$0x14000] =	vst v63  }
0xa8: {  	_ =	swait.ge [sflag:s15], $0x2000  }
0xa9: {  	[sflag:s15] =	ssyncset.done $0x0  }
0xaa: {  	s17 =	simm.s32 $0xA000;
	s8 =	sadd.s32 $0xC00, s18;
	[sflag:s15] =	ssyncadd.s32 $0xFFFFE000  }
0xab: {  	[hbm4b:s8+s3] =	stream.linear.scatter [tilespmem:s17], [sflag:$0xC], $0x2000, $0x38;
	[tilespmem:$0x14000] =	vst v63  }
0xac: {  	_ =	swait.ge [sflag:s16], $0x2000  }
0xad: {  	[sflag:s16] =	ssyncset.done $0x0  }
0xae: {  	[sflag:s16] =	ssyncadd.s32 $0xFFFFE000  }
0xaf: {  	v2 =	vld.msk [tilespmem:s28+$0xFFFFFD00], $0xff;
	_ =	sdelay $0x4  }
0xb0: {  	v3 =	vshll.u32 v2, $0x3  }
0xb1: {  	v2 =	vand.u32 $0x7, v2;
	v3 =	vand.u32 $0xFFFFFFC0, v3  }
0xb2: {  	v2 =	vor.u32 v2, v3  }
0xb3: {  	v2 =	vperm.xlane v2, v0;
	_ =	sdelay $0x1  }
0xb4: {  	v2 =	vadd.s32 v1, v2;
	_ =	sdelay $0x3  }
0xb5: {  	s13 =	simm.s32 $0x6000  }
0xb6: {  	[tilespmem:s13], [sflag:$0x2] =	stream.indirect_vreg.gather [hbm4b:s2+s3], $0x80, v2, vm0, $0xb8;
	[tilespmem:$0x14000] =	vst v63  }
0xb7: {  	s10 =	simm.s32 $0x6800  }
0xb8: {  	[tilespmem:s10], [sflag:$0x2] =	stream.indirect_vreg.gather [hbm4b:s5+s3], $0x80, v2, vm0, $0xb8;
	[tilespmem:$0x14000] =	vst v63  }
0xb9: {  	s11 =	simm.s32 $0x7000  }
0xba: {  	[tilespmem:s11], [sflag:$0x2] =	stream.indirect_vreg.gather [hbm4b:s6+s3], $0x80, v2, vm0, $0xb8;
	[tilespmem:$0x14000] =	vst v63  }
0xbb: {  	s22 =	simm.s32 $0x7800  }
0xbc: {  	[tilespmem:s22], [sflag:$0x2] =	stream.indirect_vreg.gather [hbm4b:s7+s3], $0x80, v2, vm0, $0xb8;
	[tilespmem:$0x14000] =	vst v63  }
0xbd: {  	_ =	swait.ge [sflag:s19], $0x2000  }
0xbe: {  	[sflag:s19] =	ssyncset.done $0x0  }
0xbf: {  	s23 =	sadd.s32 $0x1000, s18;
	s8 =	simm.s32 $0xC000;
	[sflag:s19] =	ssyncadd.s32 $0xFFFFE000  }
0xc0: {  	[hbm4b:s23+s3] =	stream.linear.scatter [tilespmem:s8], [sflag:$0xD], $0x2000, $0x38;
	[tilespmem:$0x14000] =	vst v63  }
0xc1: {  	_ =	swait.ge [sflag:s20], $0x2000  }
0xc2: {  	[sflag:s20] =	ssyncset.done $0x0  }
0xc3: {  	[sflag:s20] =	ssyncadd.s32 $0xFFFFE000  }
0xc4: {  	v2 =	vld.msk [tilespmem:s28+$0xFFFFFD80], $0xff;
	_ =	sdelay $0x4  }
0xc5: {  	v3 =	vshll.u32 v2, $0x3  }
0xc6: {  	v2 =	vand.u32 $0x7, v2;
	v3 =	vand.u32 $0xFFFFFFC0, v3  }
0xc7: {  	v2 =	vor.u32 v2, v3  }
0xc8: {  	v2 =	vperm.xlane v2, v0;
	_ =	sdelay $0x1  }
0xc9: {  	v2 =	vadd.s32 v1, v2;
	_ =	sdelay $0x4  }
0xca: {  	[tilespmem:s9], [sflag:$0x3] =	stream.indirect_vreg.gather [hbm4b:s2+s3], $0x80, v2, vm0, $0xb8;
	[tilespmem:$0x14000] =	vst v63  }
0xcb: {  	s24 =	simm.s32 $0x8800  }
0xcc: {  	[tilespmem:s24], [sflag:$0x3] =	stream.indirect_vreg.gather [hbm4b:s5+s3], $0x80, v2, vm0, $0xb8;
	[tilespmem:$0x14000] =	vst v63  }
0xcd: {  	s9 =	simm.s32 $0x9000  }
0xce: {  	[tilespmem:s9], [sflag:$0x3] =	stream.indirect_vreg.gather [hbm4b:s6+s3], $0x80, v2, vm0, $0xb8;
	[tilespmem:$0x14000] =	vst v63  }
0xcf: {  	s10 =	simm.s32 $0x9800  }
0xd0: {  	[tilespmem:s10], [sflag:$0x3] =	stream.indirect_vreg.gather [hbm4b:s7+s3], $0x80, v2, vm0, $0xb8;
	[tilespmem:$0x14000] =	vst v63  }
0xd1: {  	_ =	swait.ge [sflag:s21], $0x2000  }
0xd2: {  	[sflag:s21] =	ssyncset.done $0x0  }
0xd3: {  	s30 =	simm.s32 $0xE000;
	s11 =	sadd.s32 $0x1400, s18;
	[sflag:s21] =	ssyncadd.s32 $0xFFFFE000  }
0xd4: {  	[hbm4b:s11+s3] =	stream.linear.scatter [tilespmem:s30], [sflag:$0xE], $0x2000, $0x38;
	[tilespmem:$0x14000] =	vst v63  }
0xd5: {  	_ =	swait.ge [sflag:s25], $0x2000  }
0xd6: {  	[sflag:s25] =	ssyncset.done $0x0  }
0xd7: {  	[sflag:s25] =	ssyncadd.s32 $0xFFFFE000  }
0xd8: {  	v2 =	vld.msk [tilespmem:s28+$0xFFFFFE00], $0xff;
	_ =	sdelay $0x4  }
0xd9: {  	v3 =	vshll.u32 v2, $0x3  }
0xda: {  	v2 =	vand.u32 $0x7, v2;
	v3 =	vand.u32 $0xFFFFFFC0, v3  }
0xdb: {  	v2 =	vor.u32 v2, v3  }
0xdc: {  	v2 =	vperm.xlane v2, v0;
	_ =	sdelay $0x1  }
0xdd: {  	v2 =	vadd.s32 v1, v2;
	_ =	sdelay $0x4  }
0xde: {  	[tilespmem:s17], [sflag:$0x4] =	stream.indirect_vreg.gather [hbm4b:s2+s3], $0x80, v2, vm0, $0xb8;
	[tilespmem:$0x14000] =	vst v63  }
0xdf: {  	s17 =	simm.s32 $0xA800  }
0xe0: {  	[tilespmem:s17], [sflag:$0x4] =	stream.indirect_vreg.gather [hbm4b:s5+s3], $0x80, v2, vm0, $0xb8;
	[tilespmem:$0x14000] =	vst v63  }
0xe1: {  	s23 =	simm.s32 $0xB000  }
0xe2: {  	[tilespmem:s23], [sflag:$0x4] =	stream.indirect_vreg.gather [hbm4b:s6+s3], $0x80, v2, vm0, $0xb8;
	[tilespmem:$0x14000] =	vst v63  }
0xe3: {  	s24 =	simm.s32 $0xB800  }
0xe4: {  	[tilespmem:s24], [sflag:$0x4] =	stream.indirect_vreg.gather [hbm4b:s7+s3], $0x80, v2, vm0, $0xb8;
	[tilespmem:$0x14000] =	vst v63  }
0xe5: {  	_ =	swait.ge [sflag:s26], $0x2000  }
0xe6: {  	[sflag:s26] =	ssyncset.done $0x0  }
0xe7: {  	s1 =	simm.s32 $0x10000;
	s10 =	sadd.s32 $0x1800, s18;
	[sflag:s26] =	ssyncadd.s32 $0xFFFFE000  }
0xe8: {  	[hbm4b:s10+s3] =	stream.linear.scatter [tilespmem:s1], [sflag:$0xF], $0x2000, $0x38;
	[tilespmem:$0x14000] =	vst v63  }
0xe9: {  	s10 =	simm.s32 $0xD  }
0xea: {  	_ =	swait.ge [sflag:s10], $0x2000  }
0xeb: {  	[sflag:s10] =	ssyncset.done $0x0  }
0xec: {  	[sflag:s10] =	ssyncadd.s32 $0xFFFFE000  }
0xed: {  	v2 =	vld.msk [tilespmem:s28+$0xFFFFFE80], $0xff;
	_ =	sdelay $0x4  }
0xee: {  	v3 =	vshll.u32 v2, $0x3  }
0xef: {  	v2 =	vand.u32 $0x7, v2;
	v3 =	vand.u32 $0xFFFFFFC0, v3  }
0xf0: {  	v2 =	vor.u32 v2, v3  }
0xf1: {  	v2 =	vperm.xlane v2, v0;
	_ =	sdelay $0x1  }
0xf2: {  	v2 =	vadd.s32 v1, v2;
	_ =	sdelay $0x4  }
0xf3: {  	[tilespmem:s8], [sflag:$0x5] =	stream.indirect_vreg.gather [hbm4b:s2+s3], $0x80, v2, vm0, $0xb8;
	[tilespmem:$0x14000] =	vst v63  }
0xf4: {  	s8 =	simm.s32 $0xC800  }
0xf5: {  	[tilespmem:s8], [sflag:$0x5] =	stream.indirect_vreg.gather [hbm4b:s5+s3], $0x80, v2, vm0, $0xb8;
	[tilespmem:$0x14000] =	vst v63  }
0xf6: {  	s11 =	simm.s32 $0xD000  }
0xf7: {  	[tilespmem:s11], [sflag:$0x5] =	stream.indirect_vreg.gather [hbm4b:s6+s3], $0x80, v2, vm0, $0xb8;
	[tilespmem:$0x14000] =	vst v63  }
0xf8: {  	s22 =	simm.s32 $0xD800;
	s23 =	simm.s32 $0x8  }
0xf9: {  	[tilespmem:s22], [sflag:$0x5] =	stream.indirect_vreg.gather [hbm4b:s7+s3], $0x80, v2, vm0, $0xb8;
	[tilespmem:$0x14000] =	vst v63  }
0xfa: {  	_ =	swait.ge [sflag:s23], $0x2000  }
0xfb: {  	s10 =	sadd.s32 $0x1C00, s18;
	[sflag:s23] =	ssyncset.done $0x0  }
0xfc: {  	s11 =	simm.s32 $0x12000;
	[sflag:s23] =	ssyncadd.s32 $0xFFFFE000;
	s23 =	simm.s32 $0xE  }
0xfd: {  	[hbm4b:s10+s3] =	stream.linear.scatter [tilespmem:s11], [sflag:$0x10], $0x2000, $0x38;
	[tilespmem:$0x14000] =	vst v63  }
0xfe: {  	_ =	swait.ge [sflag:s23], $0x2000  }
0xff: {  	[sflag:s23] =	ssyncset.done $0x0  }
0x100: {  	[sflag:s23] =	ssyncadd.s32 $0xFFFFE000  }
0x101: {  	v2 =	vld.msk [tilespmem:s28+$0xFFFFFF00], $0xff;
	_ =	sdelay $0x4  }
0x102: {  	v3 =	vshll.u32 v2, $0x3  }
0x103: {  	v2 =	vand.u32 $0x7, v2;
	v3 =	vand.u32 $0xFFFFFFC0, v3  }
0x104: {  	v2 =	vor.u32 v2, v3  }
0x105: {  	v2 =	vperm.xlane v2, v0;
	_ =	sdelay $0x1  }
0x106: {  	v2 =	vadd.s32 v1, v2;
	_ =	sdelay $0x4  }
0x107: {  	[tilespmem:s30], [sflag:$0x6] =	stream.indirect_vreg.gather [hbm4b:s2+s3], $0x80, v2, vm0, $0xb8;
	[tilespmem:$0x14000] =	vst v63  }
0x108: {  	s30 =	simm.s32 $0xE800  }
0x109: {  	[tilespmem:s30], [sflag:$0x6] =	stream.indirect_vreg.gather [hbm4b:s5+s3], $0x80, v2, vm0, $0xb8;
	[tilespmem:$0x14000] =	vst v63  }
0x10a: {  	s22 =	simm.s32 $0xF000  }
0x10b: {  	[tilespmem:s22], [sflag:$0x6] =	stream.indirect_vreg.gather [hbm4b:s6+s3], $0x80, v2, vm0, $0xb8;
	[tilespmem:$0x14000] =	vst v63  }
0x10c: {  	s22 =	simm.s32 $0xF800  }
0x10d: {  	[tilespmem:s22], [sflag:$0x6] =	stream.indirect_vreg.gather [hbm4b:s7+s3], $0x80, v2, vm0, $0xb8;
	[tilespmem:$0x14000] =	vst v63  }
0x10e: {  	s22 =	simm.s32 $0x1  }
0x10f: {  	_ =	swait.ge [sflag:s22], $0x2000  }
0x110: {  	[sflag:s22] =	ssyncset.done $0x0  }
0x111: {  	s10 =	sadd.s32 $0x2000, s18;
	[sflag:s22] =	ssyncadd.s32 $0xFFFFE000;
	s22 =	simm.s32 $0xF  }
0x112: {  	[hbm4b:s10+s3] =	stream.linear.scatter [tilespmem:s0], [sflag:$0x9], $0x2000, $0x38;
	[tilespmem:$0x14000] =	vst v63  }
0x113: {  	_ =	swait.ge [sflag:s22], $0x2000  }
0x114: {  	[sflag:s22] =	ssyncset.done $0x0  }
0x115: {  	[sflag:s22] =	ssyncadd.s32 $0xFFFFE000  }
0x116: {  	v2 =	vld.msk [tilespmem:s28+$0xFFFFFF80], $0xff;
	_ =	sdelay $0x4  }
0x117: {  	v3 =	vshll.u32 v2, $0x3  }
0x118: {  	v2 =	vand.u32 $0x7, v2;
	v3 =	vand.u32 $0xFFFFFFC0, v3  }
0x119: {  	v2 =	vor.u32 v2, v3  }
0x11a: {  	v2 =	vperm.xlane v2, v0;
	_ =	sdelay $0x1  }
0x11b: {  	v2 =	vadd.s32 v1, v2;
	_ =	sdelay $0x4  }
0x11c: {  	[tilespmem:s1], [sflag:$0x7] =	stream.indirect_vreg.gather [hbm4b:s2+s3], $0x80, v2, vm0, $0xb8;
	[tilespmem:$0x14000] =	vst v63  }
0x11d: {  	s1 =	simm.s32 $0x10800  }
0x11e: {  	[tilespmem:s1], [sflag:$0x7] =	stream.indirect_vreg.gather [hbm4b:s5+s3], $0x80, v2, vm0, $0xb8;
	[tilespmem:$0x14000] =	vst v63  }
0x11f: {  	s0 =	simm.s32 $0x11000  }
0x120: {  	[tilespmem:s0], [sflag:$0x7] =	stream.indirect_vreg.gather [hbm4b:s6+s3], $0x80, v2, vm0, $0xb8;
	[tilespmem:$0x14000] =	vst v63  }
0x121: {  	s0 =	simm.s32 $0x11800  }
0x122: {  	[tilespmem:s0], [sflag:$0x7] =	stream.indirect_vreg.gather [hbm4b:s7+s3], $0x80, v2, vm0, $0xb8;
	[tilespmem:$0x14000] =	vst v63  }
0x123: {  	_ =	swait.ge [sflag:s4], $0x2000  }
0x124: {  	[sflag:s4] =	ssyncset.done $0x0  }
0x125: {  	s18 =	sadd.s32 $0x2400, s18;
	s0 =	simm.s32 $0x10;
	[sflag:s4] =	ssyncadd.s32 $0xFFFFE000  }
0x126: {  	[hbm4b:s18+s3] =	stream.linear.scatter [tilespmem:s13], [sflag:$0xA], $0x2000, $0x38;
	[tilespmem:$0x14000] =	vst v63  }
0x127: {  	_ =	swait.ge [sflag:s0], $0x2000  }
0x128: {  	[sflag:s0] =	ssyncset.done $0x0  }
0x129: {  	[sflag:s0] =	ssyncadd.s32 $0xFFFFE000  }
0x12a: {  	v2 =	vld.msk [tilespmem:s28+$0x0], $0xff;
	_ =	sdelay $0x4  }
0x12b: {  	v3 =	vshll.u32 v2, $0x3  }
0x12c: {  	v2 =	vand.u32 $0x7, v2;
	v3 =	vand.u32 $0xFFFFFFC0, v3  }
0x12d: {  	v2 =	vor.u32 v2, v3  }
0x12e: {  	v2 =	vperm.xlane v2, v0;
	_ =	sdelay $0x1  }
0x12f: {  	v2 =	vadd.s32 v1, v2;
	_ =	sdelay $0x3  }
0x130: {  	s31 =	simm.s32 $0x8000  }
0x131: {  	[tilespmem:s11], [sflag:$0x8] =	stream.indirect_vreg.gather [hbm4b:s2+s3], $0x80, v2, vm0, $0xb8;
	[tilespmem:$0x14000] =	vst v63  }
0x132: {  	p0 =	sne.s32 s29, $0x1C000;
	s29 =	sadd.s32 $0x2000, s29;
	s11 =	simm.s32 $0x12800  }
0x133: {  	[tilespmem:s11], [sflag:$0x8] =	stream.indirect_vreg.gather [hbm4b:s5+s3], $0x80, v2, vm0, $0xb8;
	[tilespmem:$0x14000] =	vst v63  }
.Ltmp0:
0x134: {  	s9 =	simm.s32 $0xA000;
	s24 =	simm.s32 $0xC000;
	(pc) =	sbr.rel @p0 .LBB2_2-.Ltmp0, $4  }
0x135: {  	s23 =	simm.s32 $0xE000;
	s10 =	simm.s32 $0x12000;
	s13 =	simm.s32 $0x13000  }
0x136: {  	[tilespmem:s13], [sflag:$0x8] =	stream.indirect_vreg.gather [hbm4b:s6+s3], $0x80, v2, vm0, $0xb8;
	[tilespmem:$0x14000] =	vst v63  }
0x137: {  	s22 =	simm.s32 $0x10000;
	s18 =	simm.s32 $0x13800;
	s28 =	sadd.s32 $0x400, s28  }
0x138: {  	[tilespmem:s18], [sflag:$0x8] =	stream.indirect_vreg.gather [hbm4b:s7+s3], $0x80, v2, vm0, $0xb8;
	[tilespmem:$0x14000] =	vst v63  }
0x139: {  	_ =	swait.ge [sflag:s12], $0x2000  }
0x13a: {  	[sflag:s12] =	ssyncset.done $0x0  }
0x13b: {  	s18 =	rddreg [dreg:$0x8];
	[sflag:s12] =	ssyncadd.s32 $0xFFFFE000  }
0x13c: {  	[hbm4b:s18+s3] =	stream.linear.scatter [tilespmem:s31], [sflag:$0xB], $0x2000, $0x38;
	[tilespmem:$0x14000] =	vst v63  }
0x13d: {  	_ =	swait.ge [sflag:s14], $0x2000  }
0x13e: {  	[sflag:s14] =	ssyncset.done $0x0  }
0x13f: {  	[sflag:s14] =	ssyncadd.s32 $0xFFFFE000  }
0x140: {  	_ =	swait.ge [sflag:s15], $0x2000  }
0x141: {  	[sflag:s15] =	ssyncset.done $0x0  }
0x142: {  	[sflag:s15] =	ssyncadd.s32 $0xFFFFE000;
	s15 =	rddreg [dreg:$0x9]  }
0x143: {  	[hbm4b:s15+s3] =	stream.linear.scatter [tilespmem:s9], [sflag:$0xC], $0x2000, $0x38;
	[tilespmem:$0x14000] =	vst v63  }
0x144: {  	_ =	swait.ge [sflag:s16], $0x2000  }
0x145: {  	[sflag:s16] =	ssyncset.done $0x0  }
0x146: {  	[sflag:s16] =	ssyncadd.s32 $0xFFFFE000  }
0x147: {  	_ =	swait.ge [sflag:s19], $0x2000  }
0x148: {  	[sflag:s19] =	ssyncset.done $0x0  }
0x149: {  	[sflag:s19] =	ssyncadd.s32 $0xFFFFE000;
	s19 =	rddreg [dreg:$0xa]  }
0x14a: {  	[hbm4b:s19+s3] =	stream.linear.scatter [tilespmem:s24], [sflag:$0xD], $0x2000, $0x38;
	[tilespmem:$0x14000] =	vst v63  }
0x14b: {  	_ =	swait.ge [sflag:s20], $0x2000  }
0x14c: {  	[sflag:s20] =	ssyncset.done $0x0  }
0x14d: {  	[sflag:s20] =	ssyncadd.s32 $0xFFFFE000  }
0x14e: {  	_ =	swait.ge [sflag:s21], $0x2000  }
0x14f: {  	[sflag:s21] =	ssyncset.done $0x0  }
0x150: {  	s0 =	rddreg [dreg:$0xb];
	[sflag:s21] =	ssyncadd.s32 $0xFFFFE000  }
0x151: {  	[hbm4b:s0+s3] =	stream.linear.scatter [tilespmem:s23], [sflag:$0xE], $0x2000, $0x38;
	[tilespmem:$0x14000] =	vst v63  }
0x152: {  	_ =	swait.ge [sflag:s25], $0x2000  }
0x153: {  	[sflag:s25] =	ssyncset.done $0x0  }
0x154: {  	[sflag:s25] =	ssyncadd.s32 $0xFFFFE000  }
0x155: {  	_ =	swait.ge [sflag:s26], $0x2000  }
0x156: {  	[sflag:s26] =	ssyncset.done $0x0  }
0x157: {  	s0 =	simm.s32 $0xD;
	s4 =	rddreg [dreg:$0xc];
	[sflag:s26] =	ssyncadd.s32 $0xFFFFE000  }
0x158: {  	[hbm4b:s4+s3] =	stream.linear.scatter [tilespmem:s22], [sflag:$0xF], $0x2000, $0x38;
	[tilespmem:$0x14000] =	vst v63  }
0x159: {  	_ =	swait.ge [sflag:s0], $0x2000  }
0x15a: {  	[sflag:s0] =	ssyncset.done $0x0  }
0x15b: {  	s12 =	simm.s32 $0x8;
	[sflag:s0] =	ssyncadd.s32 $0xFFFFE000  }
0x15c: {  	_ =	swait.ge [sflag:s12], $0x2000  }
0x15d: {  	[sflag:s12] =	ssyncset.done $0x0  }
0x15e: {  	s14 =	simm.s32 $0xE;
	s13 =	rddreg [dreg:$0xd];
	[sflag:s12] =	ssyncadd.s32 $0xFFFFE000  }
0x15f: {  	[hbm4b:s13+s3] =	stream.linear.scatter [tilespmem:s10], [sflag:$0x10], $0x2000, $0x38;
	[tilespmem:$0x14000] =	vst v63  }
0x160: {  	_ =	swait.ge [sflag:s14], $0x2000  }
0x161: {  	[sflag:s14] =	ssyncset.done $0x0  }
0x162: {  	s15 =	simm.s32 $0xF;
	[sflag:s14] =	ssyncadd.s32 $0xFFFFE000  }
0x163: {  	_ =	swait.ge [sflag:s15], $0x2000  }
0x164: {  	[sflag:s15] =	ssyncset.done $0x0  }
0x165: {  	s16 =	simm.s32 $0x10;
	[sflag:s15] =	ssyncadd.s32 $0xFFFFE000  }
0x166: {  	_ =	swait.ge [sflag:s16], $0x2000  }
0x167: {  	s19 =	rddreg [dreg:$0xf]  }
0x168: {  	s26 =	rddreg [dreg:$0xe];
	s14 =	sadd.s32 $0x1, s19  }
0x169: {  	p0 =	sne.s32 s14, s26  }
.Ltmp1:
0x16a: {  	_ = 	snop;
	(pc) =	sbr.rel @p0 .LBB2_1-.Ltmp1, $4  }
0x16b: {  	s28 =	simm.s32 $0x5800;
	s29 =	simm.s32 $0x6800;
	s4 =	simm.s32 $0x11800  }
0x16c: {  	s0 =	simm.s32 $0x5000;
	s12 =	simm.s32 $0x13800;
	[sflag:s16] =	ssyncset.done $0x0  }
0x16d: {  	s13 =	simm.s32 $0x7000;
	s15 =	simm.s32 $0x6000;
	[sflag:s16] =	ssyncadd.s32 $0xFFFFE000  }
0x16e: {  	s16 =	simm.s32 $0x4000;
	s19 =	simm.s32 $0xF800;
	s26 =	simm.s32 $0x4800  }
0x16f: {  	_ =	sfence.sel $0x180000  }
0x170: {  	[bflag:$0x0] =	sbarrier.arrive $0xFFFF  }
0x171: {  	_ =	strace $0x90000047  }
0x172: {  	s0 =	stileid.u32;
	[bflag:$0x2] =	sbarrier.arrive $0xFFFF  }
0x173: {  	p0 =	sne.s32 s0, $0x0;
	s0 =	rddreg [dreg:$0x3]  }
0x174: {  	s0 =	sadd.s32 @!p0 $0x100000, s0  }
0x175: {  	[sflag:s0] =	ssyncadd.tile.s32 @!p0 $0x1;
	_ =	shalt  }
.Lfunc_end2:
_tile_overlayer_lowered:
.L_overlay_start_2:
0x176: {  	(tag) =	ssettag $0x2  }
0x177: {  	s0 =	rddreg [dreg:$0x0];
	s2 =	stileid.u32  }
0x178: {  	s1 =	rddreg [dreg:$0x1];
	p0 =	sne.s32 s2, $0x0  }
0x179: {  	s3 =	rddreg [dreg:$0x2];
	[bflag:$0x3] =	sbarrier.arrive $0xFFFF;
	s2 =	simm.s32 @!p0 $0x1C11  }
0x17a: {  	[timem:s3], [sflag:s2] =	dma.local @!p0 [hbm:s0], s1  }
0x17b: {  	s0 =	simm.s32 @!p0 $0x11  }
0x17c: {  	_ =	swait.ge @!p0 [sflag:s0], s1  }
0x17d: {  	s1 =	ssub.s32 @!p0 $0x0, s1;
	[sflag:s0] =	ssyncset.done @!p0 $0x0  }
0x17e: {  	[sflag:s0] =	ssyncadd.s32 @!p0 s1  }
0x17f: {  	[bflag:$0x3] =	sbarrier.arrive $0xFFFF  }
0x180: {  	_ =	shalt  }

</sc_bundles>
